<compile_context>
chip_gen: v7x
topology: tpu7x:2x2x1
jax: 0.10.2.dev20260603
libtpu: 0.0.44.dev20260713+nightly
codegen_flags: <defaults>
</compile_context>

<pallas_src>
import functools

import jax
import jax.numpy as jnp
from jax import lax
from jax.experimental import pallas as pl
from jax.experimental.pallas import tpu as pltpu
from jax.experimental.pallas import tpu_sc as plsc

N_NODES = 10000
N_EDGES = 320000
IN_CH = 128
HID = 128
OUT = 64
FC = 1024

NC = 2
NS = 16
NW = NC * NS
E_PER_W = N_EDGES // NW
CHUNK = 80
N_CHUNKS = E_PER_W // CHUNK
RA = 624
TAIL = N_NODES - (NS - 1) * RA - RA
ZR = 52

BR = 1000
NB = N_NODES // BR


def _sc_mesh():
    return plsc.VectorSubcoreMesh(core_axis_name="c", subcore_axis_name="s")


def _deg_call(dst):

    @functools.partial(
        pl.kernel,
        out_type=jax.ShapeDtypeStruct((NC * N_NODES,), jnp.float32),
        mesh=_sc_mesh(),
        scratch_types=[
            pltpu.VMEM((E_PER_W,), jnp.int32),
            pltpu.VMEM((CHUNK,), jnp.float32),
            pltpu.VMEM((RA,), jnp.float32),
            pltpu.VMEM_SHARED((N_NODES,), jnp.float32),
            pltpu.SemaphoreType.DMA,
            pltpu.SemaphoreType.DMA,
        ],
    )
    def deg_kernel(dst_hbm, out_hbm, dall, ones_v, zbuf, acc, sem0, sem1):
        c = lax.axis_index("c")
        s = lax.axis_index("s")
        wid = s * NC + c
        one16 = jnp.ones((16,), jnp.float32)
        zero16 = jnp.zeros((16,), jnp.float32)

        def fill(i, _):
            ones_v[pl.ds(i * 16, 16)] = one16
            return _

        lax.fori_loop(0, CHUNK // 16, fill, 0)

        def fillz(i, _):
            zbuf[pl.ds(i * 16, 16)] = zero16
            return _

        lax.fori_loop(0, RA // 16, fillz, 0)

        pltpu.sync_copy(zbuf, acc.at[pl.ds(s * RA, RA)])

        @pl.when(s == NS - 1)
        def _():
            pltpu.sync_copy(
                zbuf.at[pl.ds(0, TAIL)], acc.at[pl.ds(NS * RA, TAIL)]
            )

        pltpu.sync_copy(dst_hbm.at[pl.ds(wid * E_PER_W, E_PER_W)], dall)
        plsc.subcore_barrier()

        sems = (sem0, sem1)

        def scat_start(j, b):
            pltpu.async_copy(
                ones_v, acc.at[dall.at[pl.ds(j * CHUNK, CHUNK)]], sems[b],
                add=True,
            )

        def scat_wait(b):
            pltpu.make_async_copy(ones_v, acc.at[pl.ds(0, CHUNK)], sems[b]).wait()

        scat_start(0, 0)

        def pair(r, _):
            for b in (0, 1):
                j = 2 * r + b
                scat_start(j + 1, 1 - b)
                scat_wait(b)
            return _

        lax.fori_loop(0, (N_CHUNKS - 1) // 2, pair, 0)
        scat_wait(0)
        plsc.subcore_barrier()
        pltpu.sync_copy(acc.at[pl.ds(s * RA, RA)], zbuf)
        pltpu.sync_copy(zbuf, out_hbm.at[pl.ds(c * N_NODES + s * RA, RA)])

        @pl.when(s == NS - 1)
        def _():
            pltpu.sync_copy(acc.at[pl.ds(NS * RA, TAIL)], zbuf.at[pl.ds(0, TAIL)])
            pltpu.sync_copy(
                zbuf.at[pl.ds(0, TAIL)],
                out_hbm.at[pl.ds(c * N_NODES + NS * RA, TAIL)],
            )

    return deg_kernel(dst)


def _edge_scatter_call(hs, src, dst, d, tiled=True, stage=False):
    scratch = [
        pltpu.VMEM((E_PER_W,), jnp.int32),
        pltpu.VMEM((E_PER_W,), jnp.int32),
        pltpu.VMEM((CHUNK, d), jnp.float32),
        pltpu.VMEM((CHUNK, d), jnp.float32),
        pltpu.VMEM((ZR, d), jnp.float32),
        pltpu.VMEM_SHARED((N_NODES, d), jnp.float32),
    ]
    if stage:
        scratch.append(pltpu.VMEM_SHARED((N_NODES, d), jnp.float32))
    scratch += [pltpu.SemaphoreType.DMA, pltpu.SemaphoreType.DMA]

    @functools.partial(
        pl.kernel,
        out_type=jax.ShapeDtypeStruct((NC * N_NODES, d), jnp.float32),
        mesh=_sc_mesh(),
        compiler_params=pltpu.CompilerParams(use_tc_tiling_on_sc=tiled),
        scratch_types=scratch,
    )
    def scat_kernel(hs_hbm, src_hbm, dst_hbm, out_hbm, *scr):
        if stage:
            sall, dall, rows0, rows1, zbuf, acc, hs_spm, sem0, sem1 = scr
            g_src = hs_spm
        else:
            sall, dall, rows0, rows1, zbuf, acc, sem0, sem1 = scr
            g_src = hs_hbm
        c = lax.axis_index("c")
        s = lax.axis_index("s")
        wid = s * NC + c
        zero16 = jnp.zeros((16,), jnp.float32)
        rows = (rows0, rows1)
        sems = (sem0, sem1)

        if stage:
            pltpu.sync_copy(
                hs_hbm.at[pl.ds(s * RA, RA)], hs_spm.at[pl.ds(s * RA, RA)]
            )

            @pl.when(s == NS - 1)
            def _():
                pltpu.sync_copy(
                    hs_hbm.at[pl.ds(NS * RA, TAIL)],
                    hs_spm.at[pl.ds(NS * RA, TAIL)],
                )

        def fillz(i, _):
            for j in range(d // 16):
                zbuf[i, pl.ds(j * 16, 16)] = zero16
            return _

        lax.fori_loop(0, ZR, fillz, 0)

        def zacc(r, _):
            pltpu.sync_copy(zbuf, acc.at[pl.ds(s * RA + r * ZR, ZR)])
            return _

        lax.fori_loop(0, RA // ZR, zacc, 0)

        @pl.when(s == NS - 1)
        def _():
            pltpu.sync_copy(
                zbuf.at[pl.ds(0, TAIL)], acc.at[pl.ds(NS * RA, TAIL)]
            )

        eb = wid * E_PER_W
        pltpu.sync_copy(src_hbm.at[pl.ds(eb, E_PER_W)], sall)
        pltpu.sync_copy(dst_hbm.at[pl.ds(eb, E_PER_W)], dall)
        plsc.subcore_barrier()

        def gather_start(j, b):
            pltpu.async_copy(
                g_src.at[sall.at[pl.ds(j * CHUNK, CHUNK)]], rows[b], sems[b]
            )

        def gather_wait(b):
            pltpu.make_async_copy(
                hs_hbm.at[pl.ds(0, CHUNK)], rows[b], sems[b]
            ).wait()

        def scatter(j, b):
            pltpu.sync_copy(
                rows[b], acc.at[dall.at[pl.ds(j * CHUNK, CHUNK)]], add=True
            )

        gather_start(0, 0)

        def pair(r, _):
            for b in (0, 1):
                j = 2 * r + b
                gather_start(j + 1, 1 - b)
                gather_wait(b)
                scatter(j, b)
            return _

        lax.fori_loop(0, (N_CHUNKS - 1) // 2, pair, 0)
        gather_wait(0)
        scatter(N_CHUNKS - 1, 0)
        plsc.subcore_barrier()
        pltpu.sync_copy(
            acc.at[pl.ds(s * RA, RA)],
            out_hbm.at[pl.ds(c * N_NODES + s * RA, RA)],
        )

        @pl.when(s == NS - 1)
        def _():
            pltpu.sync_copy(
                acc.at[pl.ds(NS * RA, TAIL)],
                out_hbm.at[pl.ds(c * N_NODES + NS * RA, TAIL)],
            )

    return scat_kernel(hs, src, dst)


def _k1a_call(z, W1):

    def body(z_ref, w_ref, h_ref):
        h_ref[:, :] = jnp.dot(
            z_ref[:, :], w_ref[:, :], preferred_element_type=jnp.float32
        )

    return pl.pallas_call(
        body,
        grid=(NB,),
        in_specs=[
            pl.BlockSpec((BR, IN_CH), lambda i: (i, 0)),
            pl.BlockSpec((IN_CH, HID), lambda i: (0, 0)),
        ],
        out_specs=pl.BlockSpec((BR, HID), lambda i: (i, 0)),
        out_shape=jax.ShapeDtypeStruct((N_NODES, HID), jnp.float32),
    )(z, W1)


def _k1b_call(h1, d0, d1):

    def body(h_ref, d0_ref, d1_ref, hs_ref, dinv_ref):
        deg = 1.0 + d0_ref[:, :] + d1_ref[:, :]
        dinv = lax.rsqrt(deg)
        hs_ref[:, :] = h_ref[:, :] * dinv
        dinv_ref[:, :] = dinv

    return pl.pallas_call(
        body,
        grid=(NB,),
        in_specs=[
            pl.BlockSpec((BR, HID), lambda i: (i, 0)),
            pl.BlockSpec((BR, 1), lambda i: (i, 0)),
            pl.BlockSpec((BR, 1), lambda i: (i, 0)),
        ],
        out_specs=[
            pl.BlockSpec((BR, HID), lambda i: (i, 0)),
            pl.BlockSpec((BR, 1), lambda i: (i, 0)),
        ],
        out_shape=[
            jax.ShapeDtypeStruct((N_NODES, HID), jnp.float32),
            jax.ShapeDtypeStruct((N_NODES, 1), jnp.float32),
        ],
    )(h1, d0, d1)


def _k2_call(accp1, hs1, dinv, W2, b1):

    def body(p0_ref, p1_ref, hs_ref, dinv_ref, w_ref, b_ref, o_ref):
        dinv = dinv_ref[:, :]
        t = (p0_ref[:, :] + p1_ref[:, :] + hs_ref[:, :]) * dinv + b_ref[:, :]
        r = jnp.maximum(t, 0.0)
        o_ref[:, :] = jnp.dot(r, w_ref[:, :], preferred_element_type=jnp.float32) * dinv

    return pl.pallas_call(
        body,
        grid=(NB,),
        in_specs=[
            pl.BlockSpec((BR, HID), lambda i: (i, 0)),
            pl.BlockSpec((BR, HID), lambda i: (i + NB, 0)),
            pl.BlockSpec((BR, HID), lambda i: (i, 0)),
            pl.BlockSpec((BR, 1), lambda i: (i, 0)),
            pl.BlockSpec((HID, OUT), lambda i: (0, 0)),
            pl.BlockSpec((1, HID), lambda i: (0, 0)),
        ],
        out_specs=pl.BlockSpec((BR, OUT), lambda i: (i, 0)),
        out_shape=jax.ShapeDtypeStruct((N_NODES, OUT), jnp.float32),
    )(accp1, accp1, hs1, dinv, W2, b1)


def _k3_call(accp2, hs2, dinv, Wfc, b2, bfc):

    def body(q0_ref, q1_ref, hs_ref, dinv_ref, w_ref, b2_ref, bfc_ref, o_ref):
        acc = q0_ref[:, :] + q1_ref[:, :] + hs_ref[:, :]
        t = acc * dinv_ref[:, :] + b2_ref[:, :]
        o_ref[:, :] = (
            jnp.dot(t, w_ref[:, :], preferred_element_type=jnp.float32) + bfc_ref[:, :]
        )

    return pl.pallas_call(
        body,
        grid=(NB,),
        in_specs=[
            pl.BlockSpec((BR, OUT), lambda i: (i, 0)),
            pl.BlockSpec((BR, OUT), lambda i: (i + NB, 0)),
            pl.BlockSpec((BR, OUT), lambda i: (i, 0)),
            pl.BlockSpec((BR, 1), lambda i: (i, 0)),
            pl.BlockSpec((OUT, FC), lambda i: (0, 0)),
            pl.BlockSpec((1, OUT), lambda i: (0, 0)),
            pl.BlockSpec((1, FC), lambda i: (0, 0)),
        ],
        out_specs=pl.BlockSpec((BR, FC), lambda i: (i, 0)),
        out_shape=jax.ShapeDtypeStruct((N_NODES, FC), jnp.float32),
    )(accp2, accp2, hs2, dinv, Wfc, b2, bfc)


def kernel(z, edge_index, W1, b1, W2, b2, Wfc, bfc):
    ei = edge_index.astype(jnp.int32)
    src = ei[0]
    dst = ei[1]

    degp = _deg_call(dst)
    h1 = _k1a_call(z, W1)
    d0 = degp[:N_NODES].reshape(N_NODES, 1)
    d1 = degp[N_NODES:].reshape(N_NODES, 1)
    hs1, dinv = _k1b_call(h1, d0, d1)
    accp1 = _edge_scatter_call(hs1, src, dst, HID)
    hs2 = _k2_call(accp1, hs1, dinv, W2, b1.reshape(1, HID))
    accp2 = _edge_scatter_call(hs2, src, dst, OUT, tiled=False, stage=True)
    out = _k3_call(accp2, hs2, dinv, Wfc, b2.reshape(1, OUT), bfc.reshape(1, FC))
    return out

# --- scband reference (transcript-rebuilt; emitter-appended) ---
"""Pipeline reference for scband-decoder-25048249270382 (READ-ONLY COPY).

The authoritative reference and input builder live on the scoring server;
editing this copy changes nothing except your own understanding.
"""

import jax, jax.numpy as jnp
import numpy as np

N_NODES = 10000
N_EDGES = 320000
IN_CH = 128
OUT_CH = 64


def gcn_conv(x, edge_index, W, b):
    N = x.shape[0]
    self_loops = jnp.arange(N, dtype=edge_index.dtype)
    src = jnp.concatenate([edge_index[0], self_loops])
    dst = jnp.concatenate([edge_index[1], self_loops])
    # symmetric normalization with self-loops (GCNConv default)
    deg = jnp.zeros((N,), dtype=x.dtype).at[dst].add(1.0)
    dinv = jnp.where(deg > 0, 1.0 / jnp.sqrt(deg), 0.0)
    norm = dinv[src] * dinv[dst]
    h = x @ W
    msgs = h[src] * norm[:, None]
    out = jnp.zeros((N, h.shape[1]), dtype=x.dtype).at[dst].add(msgs)
    return out + b


def setup_inputs(seed: int = 0) -> dict:
    key = jax.random.key(seed)
    k1, k2, k3, k4, k5 = jax.random.split(key, 5)
    z = jax.random.normal(k1, (N_NODES, IN_CH), dtype=jnp.float32)
    edge_index = jax.random.randint(k2, (2, N_EDGES), 0, N_NODES, dtype=jnp.int64)
    s1 = 1.0 / np.sqrt(IN_CH)
    W1 = jax.random.uniform(k3, (IN_CH, 2 * OUT_CH), minval=-s1, maxval=s1, dtype=jnp.float32)
    b1 = jnp.zeros((2 * OUT_CH,), dtype=jnp.float32)
    s2 = 1.0 / np.sqrt(2 * OUT_CH)
    W2 = jax.random.uniform(k4, (2 * OUT_CH, OUT_CH), minval=-s2, maxval=s2, dtype=jnp.float32)
    b2 = jnp.zeros((OUT_CH,), dtype=jnp.float32)
    s3 = 1.0 / np.sqrt(OUT_CH)
    Wfc = jax.random.uniform(k5, (OUT_CH, 1024), minval=-s3, maxval=s3, dtype=jnp.float32)
    bfc = jnp.zeros((1024,), dtype=jnp.float32)
    return {"z": z, "edge_index": edge_index, "W1": W1, "b1": b1, "W2": W2, "b2": b2, "Wfc": Wfc, "bfc": bfc}


def reference(z, edge_index, W1, b1, W2, b2, Wfc, bfc):
    h = gcn_conv(z, edge_index, W1, b1)
    h = jax.nn.relu(h)
    h = gcn_conv(h, edge_index, W2, b2)
    out = h @ Wfc + bfc
    return out

if __name__ == "__main__":
    import jax
    _d = setup_inputs()
    print(jax.jit(kernel)(*tuple(_d.values())))

</pallas_src>

<mosaic_0001>
#map = affine_map<(d0, d1) -> (0, 0)>
#map1 = affine_map<(d0, d1) -> (0)>
module attributes {stable_mosaic.version = 14 : i64} {
  func.func @scat_kernel(%arg0: i32, %arg1: i32, %arg2: memref<10000x64xf32, #tpu.memory_space<hbm>>, %arg3: memref<320000xi32, #tpu.memory_space<hbm>>, %arg4: memref<320000xi32, #tpu.memory_space<hbm>>, %arg5: memref<20000x64xf32, #tpu.memory_space<hbm>>, %arg6: memref<10000xi32, #tpu.memory_space<vmem>>, %arg7: memref<10000xi32, #tpu.memory_space<vmem>>, %arg8: memref<80x64xf32, #tpu.memory_space<vmem>>, %arg9: memref<80x64xf32, #tpu.memory_space<vmem>>, %arg10: memref<52x64xf32, #tpu.memory_space<vmem>>, %arg11: memref<10000x64xf32, #tpu.memory_space<vmem_shared>>, %arg12: memref<10000x64xf32, #tpu.memory_space<vmem_shared>>, %arg13: memref<!tpu.dma_semaphore, #tpu.memory_space<semaphore_mem>>, %arg14: memref<!tpu.dma_semaphore, #tpu.memory_space<semaphore_mem>>) attributes {dimension_semantics = [#tpu.dimension_semantics<core_parallel>, #tpu.dimension_semantics<subcore_parallel>], iteration_bounds = array<i64: 2, 16>, scalar_prefetch = 0 : i64, scratch_operands = 9 : i64, tpu.core_type = #tpu.core_type<sc_vector_subcore>, window_params = [{transform_indices = #map}, {transform_indices = #map1}, {transform_indices = #map1}, {transform_indices = #map}]} {
    %mul3A = arith.constant 2 : i32
    %mul3A_0 = arith.muli %arg1, %mul3A : i32
    %add3A = arith.addi %mul3A_0, %arg0 : i32
    %broadcast_in_dim3A = arith.constant 0.000000e+00 : f32
    %broadcast_in_dim3A_1 = vector.broadcast %broadcast_in_dim3A : f32 to vector<16xf32>
    %mul3A_2 = arith.constant 624 : i32
    %mul3A_3 = arith.muli %arg1, %mul3A_2 : i32
    %mul3A_4 = arith.constant 624 : i32
    %mul3A_5 = arith.muli %arg1, %mul3A_4 : i32
    "tpu.region"() ({
      %run_scoped3A = tpu.sem_alloc : memref<!tpu.dma_semaphore, #tpu.memory_space<semaphore_mem>>
      %dma_start3A_54 = arith.constant 0 : i32
      %dma_start3A_55 = tpu.memref_slice %arg12[%mul3A_5, %dma_start3A_54] : memref<10000x64xf32, #tpu.memory_space<vmem_shared>> -> memref<624x64xf32, #tpu.memory_space<vmem_shared>>
      %dma_start3A_56 = arith.constant 0 : i32
      %dma_start3A_57 = tpu.memref_slice %arg2[%mul3A_3, %dma_start3A_56] : memref<10000x64xf32, #tpu.memory_space<hbm>> -> memref<624x64xf32, #tpu.memory_space<hbm>>
      tpu.enqueue_dma source(%dma_start3A_57 : memref<624x64xf32, #tpu.memory_space<hbm>>) target(%dma_start3A_55 : memref<624x64xf32, #tpu.memory_space<vmem_shared>>) target_semaphore(%run_scoped3A : memref<!tpu.dma_semaphore, #tpu.memory_space<semaphore_mem>>)
      %dma_wait3A_58 = arith.constant 0 : i32
      %dma_wait3A_59 = tpu.memref_slice %arg12[%mul3A_5, %dma_wait3A_58] : memref<10000x64xf32, #tpu.memory_space<vmem_shared>> -> memref<624x64xf32, #tpu.memory_space<vmem_shared>>
      %dma_wait3A_60 = arith.constant 0 : i32
      %dma_wait3A_61 = tpu.memref_slice %arg2[%mul3A_3, %dma_wait3A_60] : memref<10000x64xf32, #tpu.memory_space<hbm>> -> memref<624x64xf32, #tpu.memory_space<hbm>>
      tpu.wait_dma2 semaphore(%run_scoped3A : memref<!tpu.dma_semaphore, #tpu.memory_space<semaphore_mem>>) src(%dma_wait3A_61 : memref<624x64xf32, #tpu.memory_space<hbm>>) dst(%dma_wait3A_59 : memref<624x64xf32, #tpu.memory_space<vmem_shared>>)
      tpu.yield
    }) : () -> ()
    %eq3A = arith.constant 15 : i32
    %eq3A_6 = arith.cmpi eq, %arg1, %eq3A : i32
    %convert_element_type3A = arith.extui %eq3A_6 : i1 to i32
    %cond3A = arith.constant 0 : i32
    %cond3A_7 = arith.cmpi ne, %convert_element_type3A, %cond3A : i32
    scf.if %cond3A_7 {
      "tpu.region"() ({
        %run_scoped3A = tpu.sem_alloc : memref<!tpu.dma_semaphore, #tpu.memory_space<semaphore_mem>>
        %dma_start3A_54 = arith.constant 9984 : i32
        %dma_start3A_55 = arith.constant 0 : i32
        %dma_start3A_56 = tpu.memref_slice %arg12[%dma_start3A_54, %dma_start3A_55] : memref<10000x64xf32, #tpu.memory_space<vmem_shared>> -> memref<16x64xf32, #tpu.memory_space<vmem_shared>>
        %dma_start3A_57 = arith.constant 9984 : i32
        %dma_start3A_58 = arith.constant 0 : i32
        %dma_start3A_59 = tpu.memref_slice %arg2[%dma_start3A_57, %dma_start3A_58] : memref<10000x64xf32, #tpu.memory_space<hbm>> -> memref<16x64xf32, #tpu.memory_space<hbm>>
        tpu.enqueue_dma source(%dma_start3A_59 : memref<16x64xf32, #tpu.memory_space<hbm>>) target(%dma_start3A_56 : memref<16x64xf32, #tpu.memory_space<vmem_shared>>) target_semaphore(%run_scoped3A : memref<!tpu.dma_semaphore, #tpu.memory_space<semaphore_mem>>)
        %dma_wait3A_60 = arith.constant 9984 : i32
        %dma_wait3A_61 = arith.constant 0 : i32
        %dma_wait3A_62 = tpu.memref_slice %arg12[%dma_wait3A_60, %dma_wait3A_61] : memref<10000x64xf32, #tpu.memory_space<vmem_shared>> -> memref<16x64xf32, #tpu.memory_space<vmem_shared>>
        %dma_wait3A_63 = arith.constant 9984 : i32
        %dma_wait3A_64 = arith.constant 0 : i32
        %dma_wait3A_65 = tpu.memref_slice %arg2[%dma_wait3A_63, %dma_wait3A_64] : memref<10000x64xf32, #tpu.memory_space<hbm>> -> memref<16x64xf32, #tpu.memory_space<hbm>>
        tpu.wait_dma2 semaphore(%run_scoped3A : memref<!tpu.dma_semaphore, #tpu.memory_space<semaphore_mem>>) src(%dma_wait3A_65 : memref<16x64xf32, #tpu.memory_space<hbm>>) dst(%dma_wait3A_62 : memref<16x64xf32, #tpu.memory_space<vmem_shared>>)
        tpu.yield
      }) : () -> ()
    } else {
    }
    %scan3A = arith.constant 0 : i32
    %scan3A_8 = arith.constant 0 : i32
    %scan3A_9 = arith.constant 52 : i32
    %scan3A_10 = arith.addi %scan3A_8, %scan3A_9 : i32
    %scan3A_11 = arith.constant 1 : i32
    scf.for %scan3A_54 = %scan3A_8 to %scan3A_10 step %scan3A_11  : i32 {
      %swap3A = arith.index_cast %scan3A_54 : i32 to index
      %swap3A_55 = arith.constant 0 : index
      %swap3A_56 = tpu.vector_load %arg10[%swap3A, %swap3A_55] {strides = array<i32>} : memref<52x64xf32, #tpu.memory_space<vmem>>, vector<1x16xf32>,
      %swap3A_57 = vector.shape_cast %swap3A_56 : vector<1x16xf32> to vector<16xf32>
      %swap3A_58 = vector.shape_cast %broadcast_in_dim3A_1 : vector<16xf32> to vector<1x16xf32>
      tpu.vector_store %arg10[%swap3A, %swap3A_55], %swap3A_58 {strides = array<i32>} : memref<52x64xf32, #tpu.memory_space<vmem>>, vector<1x16xf32>,
      %swap3A_59 = arith.index_cast %scan3A_54 : i32 to index
      %swap3A_60 = arith.constant 16 : index
      %swap3A_61 = tpu.vector_load %arg10[%swap3A_59, %swap3A_60] {strides = array<i32>} : memref<52x64xf32, #tpu.memory_space<vmem>>, vector<1x16xf32>,
      %swap3A_62 = vector.shape_cast %swap3A_61 : vector<1x16xf32> to vector<16xf32>
      %swap3A_63 = vector.shape_cast %broadcast_in_dim3A_1 : vector<16xf32> to vector<1x16xf32>
      tpu.vector_store %arg10[%swap3A_59, %swap3A_60], %swap3A_63 {strides = array<i32>} : memref<52x64xf32, #tpu.memory_space<vmem>>, vector<1x16xf32>,
      %swap3A_64 = arith.index_cast %scan3A_54 : i32 to index
      %swap3A_65 = arith.constant 32 : index
      %swap3A_66 = tpu.vector_load %arg10[%swap3A_64, %swap3A_65] {strides = array<i32>} : memref<52x64xf32, #tpu.memory_space<vmem>>, vector<1x16xf32>,
      %swap3A_67 = vector.shape_cast %swap3A_66 : vector<1x16xf32> to vector<16xf32>
      %swap3A_68 = vector.shape_cast %broadcast_in_dim3A_1 : vector<16xf32> to vector<1x16xf32>
      tpu.vector_store %arg10[%swap3A_64, %swap3A_65], %swap3A_68 {strides = array<i32>} : memref<52x64xf32, #tpu.memory_space<vmem>>, vector<1x16xf32>,
      %swap3A_69 = arith.index_cast %scan3A_54 : i32 to index
      %swap3A_70 = arith.constant 48 : index
      %swap3A_71 = tpu.vector_load %arg10[%swap3A_69, %swap3A_70] {strides = array<i32>} : memref<52x64xf32, #tpu.memory_space<vmem>>, vector<1x16xf32>,
      %swap3A_72 = vector.shape_cast %swap3A_71 : vector<1x16xf32> to vector<16xf32>
      %swap3A_73 = vector.shape_cast %broadcast_in_dim3A_1 : vector<16xf32> to vector<1x16xf32>
      tpu.vector_store %arg10[%swap3A_69, %swap3A_70], %swap3A_73 {strides = array<i32>} : memref<52x64xf32, #tpu.memory_space<vmem>>, vector<1x16xf32>,
    }
    %scan3A_12 = arith.constant 52 : i32
    %scan3A_13 = arith.constant 0 : i32
    %scan3A_14 = arith.constant 0 : i32
    %scan3A_15 = arith.constant 12 : i32
    %scan3A_16 = arith.addi %scan3A_14, %scan3A_15 : i32
    %scan3A_17 = arith.constant 1 : i32
    scf.for %scan3A_54 = %scan3A_14 to %scan3A_16 step %scan3A_17  : i32 {
      %mul3A_55 = arith.constant 624 : i32
      %mul3A_56 = arith.muli %arg1, %mul3A_55 : i32
      %mul3A_57 = arith.constant 52 : i32
      %mul3A_58 = arith.muli %scan3A_54, %mul3A_57 : i32
      %add3A_59 = arith.addi %mul3A_56, %mul3A_58 : i32
      "tpu.region"() ({
        %run_scoped3A = tpu.sem_alloc : memref<!tpu.dma_semaphore, #tpu.memory_space<semaphore_mem>>
        %dma_start3A_60 = arith.constant 0 : i32
        %dma_start3A_61 = tpu.memref_slice %arg11[%add3A_59, %dma_start3A_60] : memref<10000x64xf32, #tpu.memory_space<vmem_shared>> -> memref<52x64xf32, #tpu.memory_space<vmem_shared>>
        %dma_start3A_62 = arith.constant 0 : i32
        %dma_start3A_63 = tpu.memref_slice %arg11[%add3A_59, %dma_start3A_62] : memref<10000x64xf32, #tpu.memory_space<vmem_shared>> -> memref<52x64xf32, #tpu.memory_space<vmem_shared>>
        tpu.enqueue_dma source(%arg10 : memref<52x64xf32, #tpu.memory_space<vmem>>) target(%dma_start3A_63 : memref<52x64xf32, #tpu.memory_space<vmem_shared>>) target_semaphore(%run_scoped3A : memref<!tpu.dma_semaphore, #tpu.memory_space<semaphore_mem>>)
        %dma_wait3A_64 = arith.constant 0 : i32
        %dma_wait3A_65 = tpu.memref_slice %arg11[%add3A_59, %dma_wait3A_64] : memref<10000x64xf32, #tpu.memory_space<vmem_shared>> -> memref<52x64xf32, #tpu.memory_space<vmem_shared>>
        %dma_wait3A_66 = arith.constant 0 : i32
        %dma_wait3A_67 = tpu.memref_slice %arg11[%add3A_59, %dma_wait3A_66] : memref<10000x64xf32, #tpu.memory_space<vmem_shared>> -> memref<52x64xf32, #tpu.memory_space<vmem_shared>>
        tpu.wait_dma2 semaphore(%run_scoped3A : memref<!tpu.dma_semaphore, #tpu.memory_space<semaphore_mem>>) src(%arg10 : memref<52x64xf32, #tpu.memory_space<vmem>>) dst(%dma_wait3A_67 : memref<52x64xf32, #tpu.memory_space<vmem_shared>>)
        tpu.yield
      }) : () -> ()
    }
    %scan3A_18 = arith.constant 12 : i32
    %eq3A_19 = arith.constant 15 : i32
    %eq3A_20 = arith.cmpi eq, %arg1, %eq3A_19 : i32
    %convert_element_type3A_21 = arith.extui %eq3A_20 : i1 to i32
    %cond3A_22 = arith.constant 0 : i32
    %cond3A_23 = arith.cmpi ne, %convert_element_type3A_21, %cond3A_22 : i32
    scf.if %cond3A_23 {
      "tpu.region"() ({
        %run_scoped3A = tpu.sem_alloc : memref<!tpu.dma_semaphore, #tpu.memory_space<semaphore_mem>>
        %dma_start3A_54 = arith.constant 0 : i32
        %dma_start3A_55 = arith.constant 0 : i32
        %dma_start3A_56 = tpu.memref_slice %arg10[%dma_start3A_54, %dma_start3A_55] : memref<52x64xf32, #tpu.memory_space<vmem>> -> memref<16x64xf32, #tpu.memory_space<vmem>>
        %dma_start3A_57 = arith.constant 9984 : i32
        %dma_start3A_58 = arith.constant 0 : i32
        %dma_start3A_59 = tpu.memref_slice %arg11[%dma_start3A_57, %dma_start3A_58] : memref<10000x64xf32, #tpu.memory_space<vmem_shared>> -> memref<16x64xf32, #tpu.memory_space<vmem_shared>>
        %dma_start3A_60 = arith.constant 9984 : i32
        %dma_start3A_61 = arith.constant 0 : i32
        %dma_start3A_62 = tpu.memref_slice %arg11[%dma_start3A_60, %dma_start3A_61] : memref<10000x64xf32, #tpu.memory_space<vmem_shared>> -> memref<16x64xf32, #tpu.memory_space<vmem_shared>>
        %dma_start3A_63 = arith.constant 0 : i32
        %dma_start3A_64 = arith.constant 0 : i32
        %dma_start3A_65 = tpu.memref_slice %arg10[%dma_start3A_63, %dma_start3A_64] : memref<52x64xf32, #tpu.memory_space<vmem>> -> memref<16x64xf32, #tpu.memory_space<vmem>>
        tpu.enqueue_dma source(%dma_start3A_65 : memref<16x64xf32, #tpu.memory_space<vmem>>) target(%dma_start3A_62 : memref<16x64xf32, #tpu.memory_space<vmem_shared>>) target_semaphore(%run_scoped3A : memref<!tpu.dma_semaphore, #tpu.memory_space<semaphore_mem>>)
        %dma_wait3A_66 = arith.constant 0 : i32
        %dma_wait3A_67 = arith.constant 0 : i32
        %dma_wait3A_68 = tpu.memref_slice %arg10[%dma_wait3A_66, %dma_wait3A_67] : memref<52x64xf32, #tpu.memory_space<vmem>> -> memref<16x64xf32, #tpu.memory_space<vmem>>
        %dma_wait3A_69 = arith.constant 9984 : i32
        %dma_wait3A_70 = arith.constant 0 : i32
        %dma_wait3A_71 = tpu.memref_slice %arg11[%dma_wait3A_69, %dma_wait3A_70] : memref<10000x64xf32, #tpu.memory_space<vmem_shared>> -> memref<16x64xf32, #tpu.memory_space<vmem_shared>>
        %dma_wait3A_72 = arith.constant 9984 : i32
        %dma_wait3A_73 = arith.constant 0 : i32
        %dma_wait3A_74 = tpu.memref_slice %arg11[%dma_wait3A_72, %dma_wait3A_73] : memref<10000x64xf32, #tpu.memory_space<vmem_shared>> -> memref<16x64xf32, #tpu.memory_space<vmem_shared>>
        %dma_wait3A_75 = arith.constant 0 : i32
        %dma_wait3A_76 = arith.constant 0 : i32
        %dma_wait3A_77 = tpu.memref_slice %arg10[%dma_wait3A_75, %dma_wait3A_76] : memref<52x64xf32, #tpu.memory_space<vmem>> -> memref<16x64xf32, #tpu.memory_space<vmem>>
        tpu.wait_dma2 semaphore(%run_scoped3A : memref<!tpu.dma_semaphore, #tpu.memory_space<semaphore_mem>>) src(%dma_wait3A_77 : memref<16x64xf32, #tpu.memory_space<vmem>>) dst(%dma_wait3A_74 : memref<16x64xf32, #tpu.memory_space<vmem_shared>>)
        tpu.yield
      }) : () -> ()
    } else {
    }
    %mul3A_24 = arith.constant 10000 : i32
    %mul3A_25 = arith.muli %add3A, %mul3A_24 : i32
    "tpu.region"() ({
      %run_scoped3A = tpu.sem_alloc : memref<!tpu.dma_semaphore, #tpu.memory_space<semaphore_mem>>
      %dma_start3A_54 = tpu.memref_slice %arg3[%mul3A_25] : memref<320000xi32, #tpu.memory_space<hbm>> -> memref<10000xi32, #tpu.memory_space<hbm>>
      %dma_start3A_55 = tpu.memref_slice %arg3[%mul3A_25] : memref<320000xi32, #tpu.memory_space<hbm>> -> memref<10000xi32, #tpu.memory_space<hbm>>
      tpu.enqueue_dma source(%dma_start3A_55 : memref<10000xi32, #tpu.memory_space<hbm>>) target(%arg6 : memref<10000xi32, #tpu.memory_space<vmem>>) target_semaphore(%run_scoped3A : memref<!tpu.dma_semaphore, #tpu.memory_space<semaphore_mem>>)
      %dma_wait3A_56 = tpu.memref_slice %arg3[%mul3A_25] : memref<320000xi32, #tpu.memory_space<hbm>> -> memref<10000xi32, #tpu.memory_space<hbm>>
      %dma_wait3A_57 = tpu.memref_slice %arg3[%mul3A_25] : memref<320000xi32, #tpu.memory_space<hbm>> -> memref<10000xi32, #tpu.memory_space<hbm>>
      tpu.wait_dma2 semaphore(%run_scoped3A : memref<!tpu.dma_semaphore, #tpu.memory_space<semaphore_mem>>) src(%dma_wait3A_57 : memref<10000xi32, #tpu.memory_space<hbm>>) dst(%arg6 : memref<10000xi32, #tpu.memory_space<vmem>>)
      tpu.yield
    }) : () -> ()
    "tpu.region"() ({
      %run_scoped3A = tpu.sem_alloc : memref<!tpu.dma_semaphore, #tpu.memory_space<semaphore_mem>>
      %dma_start3A_54 = tpu.memref_slice %arg4[%mul3A_25] : memref<320000xi32, #tpu.memory_space<hbm>> -> memref<10000xi32, #tpu.memory_space<hbm>>
      %dma_start3A_55 = tpu.memref_slice %arg4[%mul3A_25] : memref<320000xi32, #tpu.memory_space<hbm>> -> memref<10000xi32, #tpu.memory_space<hbm>>
      tpu.enqueue_dma source(%dma_start3A_55 : memref<10000xi32, #tpu.memory_space<hbm>>) target(%arg7 : memref<10000xi32, #tpu.memory_space<vmem>>) target_semaphore(%run_scoped3A : memref<!tpu.dma_semaphore, #tpu.memory_space<semaphore_mem>>)
      %dma_wait3A_56 = tpu.memref_slice %arg4[%mul3A_25] : memref<320000xi32, #tpu.memory_space<hbm>> -> memref<10000xi32, #tpu.memory_space<hbm>>
      %dma_wait3A_57 = tpu.memref_slice %arg4[%mul3A_25] : memref<320000xi32, #tpu.memory_space<hbm>> -> memref<10000xi32, #tpu.memory_space<hbm>>
      tpu.wait_dma2 semaphore(%run_scoped3A : memref<!tpu.dma_semaphore, #tpu.memory_space<semaphore_mem>>) src(%dma_wait3A_57 : memref<10000xi32, #tpu.memory_space<hbm>>) dst(%arg7 : memref<10000xi32, #tpu.memory_space<vmem>>)
      tpu.yield
    }) : () -> ()
    %barrier3A = arith.constant 0 : index
    tpu.barrier barrier_id(%barrier3A)
    %dma_start3A = arith.constant 0 : i32
    %dma_start3A_26 = tpu.memref_slice %arg6[%dma_start3A] : memref<10000xi32, #tpu.memory_space<vmem>> -> memref<80xi32, #tpu.memory_space<vmem>>
    %dma_start3A_27 = arith.constant 0 : i32
    %dma_start3A_28 = arith.constant 0 : i32
    %dma_start3A_29 = tpu.memref_slice %arg12[%dma_start3A_27, %dma_start3A_28] : memref<10000x64xf32, #tpu.memory_space<vmem_shared>> -> memref<10000x64xf32, #tpu.memory_space<vmem_shared>>
    tpu.enqueue_indirect_dma source(%dma_start3A_29 : memref<10000x64xf32, #tpu.memory_space<vmem_shared>>) target(%arg8 : memref<80x64xf32, #tpu.memory_space<vmem>>) offsets(%dma_start3A_26 : memref<80xi32, #tpu.memory_space<vmem>>) semaphore(%arg13 : memref<!tpu.dma_semaphore, #tpu.memory_space<semaphore_mem>>)
    %scan3A_30 = arith.constant 0 : i32
    %scan3A_31 = arith.constant 0 : i32
    %scan3A_32 = arith.constant 62 : i32
    %scan3A_33 = arith.addi %scan3A_31, %scan3A_32 : i32
    %scan3A_34 = arith.constant 1 : i32
    scf.for %scan3A_54 = %scan3A_31 to %scan3A_33 step %scan3A_34  : i32 {
      %mul3A_55 = arith.constant 2 : i32
      %mul3A_56 = arith.muli %mul3A_55, %scan3A_54 : i32
      %add3A_57 = arith.constant 0 : i32
      %add3A_58 = arith.addi %mul3A_56, %add3A_57 : i32
      %add3A_59 = arith.constant 1 : i32
      %add3A_60 = arith.addi %add3A_58, %add3A_59 : i32
      %mul3A_61 = arith.constant 80 : i32
      %mul3A_62 = arith.muli %add3A_60, %mul3A_61 : i32
      %dma_start3A_63 = tpu.memref_slice %arg6[%mul3A_62] : memref<10000xi32, #tpu.memory_space<vmem>> -> memref<80xi32, #tpu.memory_space<vmem>>
      %dma_start3A_64 = arith.constant 0 : i32
      %dma_start3A_65 = arith.constant 0 : i32
      %dma_start3A_66 = tpu.memref_slice %arg12[%dma_start3A_64, %dma_start3A_65] : memref<10000x64xf32, #tpu.memory_space<vmem_shared>> -> memref<10000x64xf32, #tpu.memory_space<vmem_shared>>
      tpu.enqueue_indirect_dma source(%dma_start3A_66 : memref<10000x64xf32, #tpu.memory_space<vmem_shared>>) target(%arg9 : memref<80x64xf32, #tpu.memory_space<vmem>>) offsets(%dma_start3A_63 : memref<80xi32, #tpu.memory_space<vmem>>) semaphore(%arg14 : memref<!tpu.dma_semaphore, #tpu.memory_space<semaphore_mem>>)
      %dma_wait3A_67 = arith.constant 0 : i32
      %dma_wait3A_68 = arith.constant 0 : i32
      %dma_wait3A_69 = tpu.memref_slice %arg2[%dma_wait3A_67, %dma_wait3A_68] : memref<10000x64xf32, #tpu.memory_space<hbm>> -> memref<80x64xf32, #tpu.memory_space<hbm>>
      %dma_wait3A_70 = arith.constant 0 : i32
      %dma_wait3A_71 = arith.constant 0 : i32
      %dma_wait3A_72 = tpu.memref_slice %arg2[%dma_wait3A_70, %dma_wait3A_71] : memref<10000x64xf32, #tpu.memory_space<hbm>> -> memref<80x64xf32, #tpu.memory_space<hbm>>
      tpu.wait_dma2 semaphore(%arg13 : memref<!tpu.dma_semaphore, #tpu.memory_space<semaphore_mem>>) src(%dma_wait3A_72 : memref<80x64xf32, #tpu.memory_space<hbm>>) dst(%arg8 : memref<80x64xf32, #tpu.memory_space<vmem>>)
      %mul3A_73 = arith.constant 80 : i32
      %mul3A_74 = arith.muli %add3A_58, %mul3A_73 : i32
      "tpu.region"() ({
        %run_scoped3A = tpu.sem_alloc : memref<!tpu.dma_semaphore, #tpu.memory_space<semaphore_mem>>
        %dma_start3A_95 = tpu.memref_slice %arg7[%mul3A_74] : memref<10000xi32, #tpu.memory_space<vmem>> -> memref<80xi32, #tpu.memory_space<vmem>>
        %dma_start3A_96 = arith.constant 0 : i32
        %dma_start3A_97 = arith.constant 0 : i32
        %dma_start3A_98 = tpu.memref_slice %arg11[%dma_start3A_96, %dma_start3A_97] : memref<10000x64xf32, #tpu.memory_space<vmem_shared>> -> memref<10000x64xf32, #tpu.memory_space<vmem_shared>>
        tpu.enqueue_indirect_dma source(%arg8 : memref<80x64xf32, #tpu.memory_space<vmem>>) target(%dma_start3A_98 : memref<10000x64xf32, #tpu.memory_space<vmem_shared>>) offsets(%dma_start3A_95 : memref<80xi32, #tpu.memory_space<vmem>>) semaphore(%run_scoped3A : memref<!tpu.dma_semaphore, #tpu.memory_space<semaphore_mem>>) {add = true}
        %dma_wait3A_99 = tpu.memref_slice %arg7[%mul3A_74] : memref<10000xi32, #tpu.memory_space<vmem>> -> memref<80xi32, #tpu.memory_space<vmem>>
        %dma_wait3A_100 = arith.constant 0 : i32
        %dma_wait3A_101 = arith.constant 0 : i32
        %dma_wait3A_102 = tpu.memref_slice %arg11[%dma_wait3A_100, %dma_wait3A_101] : memref<10000x64xf32, #tpu.memory_space<vmem_shared>> -> memref<10000x64xf32, #tpu.memory_space<vmem_shared>>
        tpu.wait_indirect_dma semaphore(%run_scoped3A : memref<!tpu.dma_semaphore, #tpu.memory_space<semaphore_mem>>) src(%arg8 : memref<80x64xf32, #tpu.memory_space<vmem>>) dst(%dma_wait3A_102 : memref<10000x64xf32, #tpu.memory_space<vmem_shared>>)
        tpu.yield
      }) : () -> ()
      %mul3A_75 = arith.constant 2 : i32
      %mul3A_76 = arith.muli %mul3A_75, %scan3A_54 : i32
      %add3A_77 = arith.constant 1 : i32
      %add3A_78 = arith.addi %mul3A_76, %add3A_77 : i32
      %add3A_79 = arith.constant 1 : i32
      %add3A_80 = arith.addi %add3A_78, %add3A_79 : i32
      %mul3A_81 = arith.constant 80 : i32
      %mul3A_82 = arith.muli %add3A_80, %mul3A_81 : i32
      %dma_start3A_83 = tpu.memref_slice %arg6[%mul3A_82] : memref<10000xi32, #tpu.memory_space<vmem>> -> memref<80xi32, #tpu.memory_space<vmem>>
      %dma_start3A_84 = arith.constant 0 : i32
      %dma_start3A_85 = arith.constant 0 : i32
      %dma_start3A_86 = tpu.memref_slice %arg12[%dma_start3A_84, %dma_start3A_85] : memref<10000x64xf32, #tpu.memory_space<vmem_shared>> -> memref<10000x64xf32, #tpu.memory_space<vmem_shared>>
      tpu.enqueue_indirect_dma source(%dma_start3A_86 : memref<10000x64xf32, #tpu.memory_space<vmem_shared>>) target(%arg8 : memref<80x64xf32, #tpu.memory_space<vmem>>) offsets(%dma_start3A_83 : memref<80xi32, #tpu.memory_space<vmem>>) semaphore(%arg13 : memref<!tpu.dma_semaphore, #tpu.memory_space<semaphore_mem>>)
      %dma_wait3A_87 = arith.constant 0 : i32
      %dma_wait3A_88 = arith.constant 0 : i32
      %dma_wait3A_89 = tpu.memref_slice %arg2[%dma_wait3A_87, %dma_wait3A_88] : memref<10000x64xf32, #tpu.memory_space<hbm>> -> memref<80x64xf32, #tpu.memory_space<hbm>>
      %dma_wait3A_90 = arith.constant 0 : i32
      %dma_wait3A_91 = arith.constant 0 : i32
      %dma_wait3A_92 = tpu.memref_slice %arg2[%dma_wait3A_90, %dma_wait3A_91] : memref<10000x64xf32, #tpu.memory_space<hbm>> -> memref<80x64xf32, #tpu.memory_space<hbm>>
      tpu.wait_dma2 semaphore(%arg14 : memref<!tpu.dma_semaphore, #tpu.memory_space<semaphore_mem>>) src(%dma_wait3A_92 : memref<80x64xf32, #tpu.memory_space<hbm>>) dst(%arg9 : memref<80x64xf32, #tpu.memory_space<vmem>>)
      %mul3A_93 = arith.constant 80 : i32
      %mul3A_94 = arith.muli %add3A_78, %mul3A_93 : i32
      "tpu.region"() ({
        %run_scoped3A = tpu.sem_alloc : memref<!tpu.dma_semaphore, #tpu.memory_space<semaphore_mem>>
        %dma_start3A_95 = tpu.memref_slice %arg7[%mul3A_94] : memref<10000xi32, #tpu.memory_space<vmem>> -> memref<80xi32, #tpu.memory_space<vmem>>
        %dma_start3A_96 = arith.constant 0 : i32
        %dma_start3A_97 = arith.constant 0 : i32
        %dma_start3A_98 = tpu.memref_slice %arg11[%dma_start3A_96, %dma_start3A_97] : memref<10000x64xf32, #tpu.memory_space<vmem_shared>> -> memref<10000x64xf32, #tpu.memory_space<vmem_shared>>
        tpu.enqueue_indirect_dma source(%arg9 : memref<80x64xf32, #tpu.memory_space<vmem>>) target(%dma_start3A_98 : memref<10000x64xf32, #tpu.memory_space<vmem_shared>>) offsets(%dma_start3A_95 : memref<80xi32, #tpu.memory_space<vmem>>) semaphore(%run_scoped3A : memref<!tpu.dma_semaphore, #tpu.memory_space<semaphore_mem>>) {add = true}
        %dma_wait3A_99 = tpu.memref_slice %arg7[%mul3A_94] : memref<10000xi32, #tpu.memory_space<vmem>> -> memref<80xi32, #tpu.memory_space<vmem>>
        %dma_wait3A_100 = arith.constant 0 : i32
        %dma_wait3A_101 = arith.constant 0 : i32
        %dma_wait3A_102 = tpu.memref_slice %arg11[%dma_wait3A_100, %dma_wait3A_101] : memref<10000x64xf32, #tpu.memory_space<vmem_shared>> -> memref<10000x64xf32, #tpu.memory_space<vmem_shared>>
        tpu.wait_indirect_dma semaphore(%run_scoped3A : memref<!tpu.dma_semaphore, #tpu.memory_space<semaphore_mem>>) src(%arg9 : memref<80x64xf32, #tpu.memory_space<vmem>>) dst(%dma_wait3A_102 : memref<10000x64xf32, #tpu.memory_space<vmem_shared>>)
        tpu.yield
      }) : () -> ()
    }
    %scan3A_35 = arith.constant 62 : i32
    %dma_wait3A = arith.constant 0 : i32
    %dma_wait3A_36 = arith.constant 0 : i32
    %dma_wait3A_37 = tpu.memref_slice %arg2[%dma_wait3A, %dma_wait3A_36] : memref<10000x64xf32, #tpu.memory_space<hbm>> -> memref<80x64xf32, #tpu.memory_space<hbm>>
    %dma_wait3A_38 = arith.constant 0 : i32
    %dma_wait3A_39 = arith.constant 0 : i32
    %dma_wait3A_40 = tpu.memref_slice %arg2[%dma_wait3A_38, %dma_wait3A_39] : memref<10000x64xf32, #tpu.memory_space<hbm>> -> memref<80x64xf32, #tpu.memory_space<hbm>>
    tpu.wait_dma2 semaphore(%arg13 : memref<!tpu.dma_semaphore, #tpu.memory_space<semaphore_mem>>) src(%dma_wait3A_40 : memref<80x64xf32, #tpu.memory_space<hbm>>) dst(%arg8 : memref<80x64xf32, #tpu.memory_space<vmem>>)
    "tpu.region"() ({
      %run_scoped3A = tpu.sem_alloc : memref<!tpu.dma_semaphore, #tpu.memory_space<semaphore_mem>>
      %dma_start3A_54 = arith.constant 9920 : i32
      %dma_start3A_55 = tpu.memref_slice %arg7[%dma_start3A_54] : memref<10000xi32, #tpu.memory_space<vmem>> -> memref<80xi32, #tpu.memory_space<vmem>>
      %dma_start3A_56 = arith.constant 0 : i32
      %dma_start3A_57 = arith.constant 0 : i32
      %dma_start3A_58 = tpu.memref_slice %arg11[%dma_start3A_56, %dma_start3A_57] : memref<10000x64xf32, #tpu.memory_space<vmem_shared>> -> memref<10000x64xf32, #tpu.memory_space<vmem_shared>>
      tpu.enqueue_indirect_dma source(%arg8 : memref<80x64xf32, #tpu.memory_space<vmem>>) target(%dma_start3A_58 : memref<10000x64xf32, #tpu.memory_space<vmem_shared>>) offsets(%dma_start3A_55 : memref<80xi32, #tpu.memory_space<vmem>>) semaphore(%run_scoped3A : memref<!tpu.dma_semaphore, #tpu.memory_space<semaphore_mem>>) {add = true}
      %dma_wait3A_59 = arith.constant 9920 : i32
      %dma_wait3A_60 = tpu.memref_slice %arg7[%dma_wait3A_59] : memref<10000xi32, #tpu.memory_space<vmem>> -> memref<80xi32, #tpu.memory_space<vmem>>
      %dma_wait3A_61 = arith.constant 0 : i32
      %dma_wait3A_62 = arith.constant 0 : i32
      %dma_wait3A_63 = tpu.memref_slice %arg11[%dma_wait3A_61, %dma_wait3A_62] : memref<10000x64xf32, #tpu.memory_space<vmem_shared>> -> memref<10000x64xf32, #tpu.memory_space<vmem_shared>>
      tpu.wait_indirect_dma semaphore(%run_scoped3A : memref<!tpu.dma_semaphore, #tpu.memory_space<semaphore_mem>>) src(%arg8 : memref<80x64xf32, #tpu.memory_space<vmem>>) dst(%dma_wait3A_63 : memref<10000x64xf32, #tpu.memory_space<vmem_shared>>)
      tpu.yield
    }) : () -> ()
    %barrier3A_41 = arith.constant 0 : index
    tpu.barrier barrier_id(%barrier3A_41)
    %mul3A_42 = arith.constant 624 : i32
    %mul3A_43 = arith.muli %arg1, %mul3A_42 : i32
    %mul3A_44 = arith.constant 10000 : i32
    %mul3A_45 = arith.muli %arg0, %mul3A_44 : i32
    %mul3A_46 = arith.constant 624 : i32
    %mul3A_47 = arith.muli %arg1, %mul3A_46 : i32
    %add3A_48 = arith.addi %mul3A_45, %mul3A_47 : i32
    "tpu.region"() ({
      %run_scoped3A = tpu.sem_alloc : memref<!tpu.dma_semaphore, #tpu.memory_space<semaphore_mem>>
      %dma_start3A_54 = arith.constant 0 : i32
      %dma_start3A_55 = tpu.memref_slice %arg5[%add3A_48, %dma_start3A_54] : memref<20000x64xf32, #tpu.memory_space<hbm>> -> memref<624x64xf32, #tpu.memory_space<hbm>>
      %dma_start3A_56 = arith.constant 0 : i32
      %dma_start3A_57 = tpu.memref_slice %arg11[%mul3A_43, %dma_start3A_56] : memref<10000x64xf32, #tpu.memory_space<vmem_shared>> -> memref<624x64xf32, #tpu.memory_space<vmem_shared>>
      tpu.enqueue_dma source(%dma_start3A_57 : memref<624x64xf32, #tpu.memory_space<vmem_shared>>) target(%dma_start3A_55 : memref<624x64xf32, #tpu.memory_space<hbm>>) target_semaphore(%run_scoped3A : memref<!tpu.dma_semaphore, #tpu.memory_space<semaphore_mem>>)
      %dma_wait3A_58 = arith.constant 0 : i32
      %dma_wait3A_59 = tpu.memref_slice %arg5[%add3A_48, %dma_wait3A_58] : memref<20000x64xf32, #tpu.memory_space<hbm>> -> memref<624x64xf32, #tpu.memory_space<hbm>>
      %dma_wait3A_60 = arith.constant 0 : i32
      %dma_wait3A_61 = tpu.memref_slice %arg11[%mul3A_43, %dma_wait3A_60] : memref<10000x64xf32, #tpu.memory_space<vmem_shared>> -> memref<624x64xf32, #tpu.memory_space<vmem_shared>>
      tpu.wait_dma2 semaphore(%run_scoped3A : memref<!tpu.dma_semaphore, #tpu.memory_space<semaphore_mem>>) src(%dma_wait3A_61 : memref<624x64xf32, #tpu.memory_space<vmem_shared>>) dst(%dma_wait3A_59 : memref<624x64xf32, #tpu.memory_space<hbm>>)
      tpu.yield
    }) : () -> ()
    %eq3A_49 = arith.constant 15 : i32
    %eq3A_50 = arith.cmpi eq, %arg1, %eq3A_49 : i32
    %convert_element_type3A_51 = arith.extui %eq3A_50 : i1 to i32
    %cond3A_52 = arith.constant 0 : i32
    %cond3A_53 = arith.cmpi ne, %convert_element_type3A_51, %cond3A_52 : i32
    scf.if %cond3A_53 {
      %mul3A_54 = arith.constant 10000 : i32
      %mul3A_55 = arith.muli %arg0, %mul3A_54 : i32
      %add3A_56 = arith.constant 9984 : i32
      %add3A_57 = arith.addi %mul3A_55, %add3A_56 : i32
      "tpu.region"() ({
        %run_scoped3A = tpu.sem_alloc : memref<!tpu.dma_semaphore, #tpu.memory_space<semaphore_mem>>
        %dma_start3A_58 = arith.constant 0 : i32
        %dma_start3A_59 = tpu.memref_slice %arg5[%add3A_57, %dma_start3A_58] : memref<20000x64xf32, #tpu.memory_space<hbm>> -> memref<16x64xf32, #tpu.memory_space<hbm>>
        %dma_start3A_60 = arith.constant 9984 : i32
        %dma_start3A_61 = arith.constant 0 : i32
        %dma_start3A_62 = tpu.memref_slice %arg11[%dma_start3A_60, %dma_start3A_61] : memref<10000x64xf32, #tpu.memory_space<vmem_shared>> -> memref<16x64xf32, #tpu.memory_space<vmem_shared>>
        tpu.enqueue_dma source(%dma_start3A_62 : memref<16x64xf32, #tpu.memory_space<vmem_shared>>) target(%dma_start3A_59 : memref<16x64xf32, #tpu.memory_space<hbm>>) target_semaphore(%run_scoped3A : memref<!tpu.dma_semaphore, #tpu.memory_space<semaphore_mem>>)
        %dma_wait3A_63 = arith.constant 0 : i32
        %dma_wait3A_64 = tpu.memref_slice %arg5[%add3A_57, %dma_wait3A_63] : memref<20000x64xf32, #tpu.memory_space<hbm>> -> memref<16x64xf32, #tpu.memory_space<hbm>>
        %dma_wait3A_65 = arith.constant 9984 : i32
        %dma_wait3A_66 = arith.constant 0 : i32
        %dma_wait3A_67 = tpu.memref_slice %arg11[%dma_wait3A_65, %dma_wait3A_66] : memref<10000x64xf32, #tpu.memory_space<vmem_shared>> -> memref<16x64xf32, #tpu.memory_space<vmem_shared>>
        tpu.wait_dma2 semaphore(%run_scoped3A : memref<!tpu.dma_semaphore, #tpu.memory_space<semaphore_mem>>) src(%dma_wait3A_67 : memref<16x64xf32, #tpu.memory_space<vmem_shared>>) dst(%dma_wait3A_64 : memref<16x64xf32, #tpu.memory_space<hbm>>)
        tpu.yield
      }) : () -> ()
    } else {
    }
    return
  }
}

#map = affine_map<(d0, d1) -> (0, 0)>
#map1 = affine_map<(d0, d1) -> (0)>
module attributes {stable_mosaic.version = 14 : i64} {
  func.func @scat_kernel(%arg0: i32, %arg1: i32, %arg2: memref<10000x128xf32, #tpu.memory_space<hbm>>, %arg3: memref<320000xi32, #tpu.memory_space<hbm>>, %arg4: memref<320000xi32, #tpu.memory_space<hbm>>, %arg5: memref<20000x128xf32, #tpu.memory_space<hbm>>, %arg6: memref<10000xi32, #tpu.memory_space<vmem>>, %arg7: memref<10000xi32, #tpu.memory_space<vmem>>, %arg8: memref<80x128xf32, #tpu.memory_space<vmem>>, %arg9: memref<80x128xf32, #tpu.memory_space<vmem>>, %arg10: memref<52x128xf32, #tpu.memory_space<vmem>>, %arg11: memref<10000x128xf32, #tpu.memory_space<vmem_shared>>, %arg12: memref<!tpu.dma_semaphore, #tpu.memory_space<semaphore_mem>>, %arg13: memref<!tpu.dma_semaphore, #tpu.memory_space<semaphore_mem>>) attributes {dimension_semantics = [#tpu.dimension_semantics<core_parallel>, #tpu.dimension_semantics<subcore_parallel>], iteration_bounds = array<i64: 2, 16>, scalar_prefetch = 0 : i64, scratch_operands = 8 : i64, tpu.core_type = #tpu.core_type<sc_vector_subcore>, window_params = [{transform_indices = #map}, {transform_indices = #map1}, {transform_indices = #map1}, {transform_indices = #map}]} {
    %mul3A = arith.constant 2 : i32
    %mul3A_0 = arith.muli %arg1, %mul3A : i32
    %add3A = arith.addi %mul3A_0, %arg0 : i32
    %broadcast_in_dim3A = arith.constant 0.000000e+00 : f32
    %broadcast_in_dim3A_1 = vector.broadcast %broadcast_in_dim3A : f32 to vector<16xf32>
    %scan3A = arith.constant 0 : i32
    %scan3A_2 = arith.constant 0 : i32
    %scan3A_3 = arith.constant 52 : i32
    %scan3A_4 = arith.addi %scan3A_2, %scan3A_3 : i32
    %scan3A_5 = arith.constant 1 : i32
    scf.for %scan3A_45 = %scan3A_2 to %scan3A_4 step %scan3A_5  : i32 {
      %swap3A = arith.index_cast %scan3A_45 : i32 to index
      %swap3A_46 = arith.constant 0 : index
      %swap3A_47 = tpu.vector_load %arg10[%swap3A, %swap3A_46] {strides = array<i32>} : memref<52x128xf32, #tpu.memory_space<vmem>>, vector<1x16xf32>,
      %swap3A_48 = vector.shape_cast %swap3A_47 : vector<1x16xf32> to vector<16xf32>
      %swap3A_49 = vector.shape_cast %broadcast_in_dim3A_1 : vector<16xf32> to vector<1x16xf32>
      tpu.vector_store %arg10[%swap3A, %swap3A_46], %swap3A_49 {strides = array<i32>} : memref<52x128xf32, #tpu.memory_space<vmem>>, vector<1x16xf32>,
      %swap3A_50 = arith.index_cast %scan3A_45 : i32 to index
      %swap3A_51 = arith.constant 16 : index
      %swap3A_52 = tpu.vector_load %arg10[%swap3A_50, %swap3A_51] {strides = array<i32>} : memref<52x128xf32, #tpu.memory_space<vmem>>, vector<1x16xf32>,
      %swap3A_53 = vector.shape_cast %swap3A_52 : vector<1x16xf32> to vector<16xf32>
      %swap3A_54 = vector.shape_cast %broadcast_in_dim3A_1 : vector<16xf32> to vector<1x16xf32>
      tpu.vector_store %arg10[%swap3A_50, %swap3A_51], %swap3A_54 {strides = array<i32>} : memref<52x128xf32, #tpu.memory_space<vmem>>, vector<1x16xf32>,
      %swap3A_55 = arith.index_cast %scan3A_45 : i32 to index
      %swap3A_56 = arith.constant 32 : index
      %swap3A_57 = tpu.vector_load %arg10[%swap3A_55, %swap3A_56] {strides = array<i32>} : memref<52x128xf32, #tpu.memory_space<vmem>>, vector<1x16xf32>,
      %swap3A_58 = vector.shape_cast %swap3A_57 : vector<1x16xf32> to vector<16xf32>
      %swap3A_59 = vector.shape_cast %broadcast_in_dim3A_1 : vector<16xf32> to vector<1x16xf32>
      tpu.vector_store %arg10[%swap3A_55, %swap3A_56], %swap3A_59 {strides = array<i32>} : memref<52x128xf32, #tpu.memory_space<vmem>>, vector<1x16xf32>,
      %swap3A_60 = arith.index_cast %scan3A_45 : i32 to index
      %swap3A_61 = arith.constant 48 : index
      %swap3A_62 = tpu.vector_load %arg10[%swap3A_60, %swap3A_61] {strides = array<i32>} : memref<52x128xf32, #tpu.memory_space<vmem>>, vector<1x16xf32>,
      %swap3A_63 = vector.shape_cast %swap3A_62 : vector<1x16xf32> to vector<16xf32>
      %swap3A_64 = vector.shape_cast %broadcast_in_dim3A_1 : vector<16xf32> to vector<1x16xf32>
      tpu.vector_store %arg10[%swap3A_60, %swap3A_61], %swap3A_64 {strides = array<i32>} : memref<52x128xf32, #tpu.memory_space<vmem>>, vector<1x16xf32>,
      %swap3A_65 = arith.index_cast %scan3A_45 : i32 to index
      %swap3A_66 = arith.constant 64 : index
      %swap3A_67 = tpu.vector_load %arg10[%swap3A_65, %swap3A_66] {strides = array<i32>} : memref<52x128xf32, #tpu.memory_space<vmem>>, vector<1x16xf32>,
      %swap3A_68 = vector.shape_cast %swap3A_67 : vector<1x16xf32> to vector<16xf32>
      %swap3A_69 = vector.shape_cast %broadcast_in_dim3A_1 : vector<16xf32> to vector<1x16xf32>
      tpu.vector_store %arg10[%swap3A_65, %swap3A_66], %swap3A_69 {strides = array<i32>} : memref<52x128xf32, #tpu.memory_space<vmem>>, vector<1x16xf32>,
      %swap3A_70 = arith.index_cast %scan3A_45 : i32 to index
      %swap3A_71 = arith.constant 80 : index
      %swap3A_72 = tpu.vector_load %arg10[%swap3A_70, %swap3A_71] {strides = array<i32>} : memref<52x128xf32, #tpu.memory_space<vmem>>, vector<1x16xf32>,
      %swap3A_73 = vector.shape_cast %swap3A_72 : vector<1x16xf32> to vector<16xf32>
      %swap3A_74 = vector.shape_cast %broadcast_in_dim3A_1 : vector<16xf32> to vector<1x16xf32>
      tpu.vector_store %arg10[%swap3A_70, %swap3A_71], %swap3A_74 {strides = array<i32>} : memref<52x128xf32, #tpu.memory_space<vmem>>, vector<1x16xf32>,
      %swap3A_75 = arith.index_cast %scan3A_45 : i32 to index
      %swap3A_76 = arith.constant 96 : index
      %swap3A_77 = tpu.vector_load %arg10[%swap3A_75, %swap3A_76] {strides = array<i32>} : memref<52x128xf32, #tpu.memory_space<vmem>>, vector<1x16xf32>,
      %swap3A_78 = vector.shape_cast %swap3A_77 : vector<1x16xf32> to vector<16xf32>
      %swap3A_79 = vector.shape_cast %broadcast_in_dim3A_1 : vector<16xf32> to vector<1x16xf32>
      tpu.vector_store %arg10[%swap3A_75, %swap3A_76], %swap3A_79 {strides = array<i32>} : memref<52x128xf32, #tpu.memory_space<vmem>>, vector<1x16xf32>,
      %swap3A_80 = arith.index_cast %scan3A_45 : i32 to index
      %swap3A_81 = arith.constant 112 : index
      %swap3A_82 = tpu.vector_load %arg10[%swap3A_80, %swap3A_81] {strides = array<i32>} : memref<52x128xf32, #tpu.memory_space<vmem>>, vector<1x16xf32>,
      %swap3A_83 = vector.shape_cast %swap3A_82 : vector<1x16xf32> to vector<16xf32>
      %swap3A_84 = vector.shape_cast %broadcast_in_dim3A_1 : vector<16xf32> to vector<1x16xf32>
      tpu.vector_store %arg10[%swap3A_80, %swap3A_81], %swap3A_84 {strides = array<i32>} : memref<52x128xf32, #tpu.memory_space<vmem>>, vector<1x16xf32>,
    }
    %scan3A_6 = arith.constant 52 : i32
    %scan3A_7 = arith.constant 0 : i32
    %scan3A_8 = arith.constant 0 : i32
    %scan3A_9 = arith.constant 12 : i32
    %scan3A_10 = arith.addi %scan3A_8, %scan3A_9 : i32
    %scan3A_11 = arith.constant 1 : i32
    scf.for %scan3A_45 = %scan3A_8 to %scan3A_10 step %scan3A_11  : i32 {
      %mul3A_46 = arith.constant 624 : i32
      %mul3A_47 = arith.muli %arg1, %mul3A_46 : i32
      %mul3A_48 = arith.constant 52 : i32
      %mul3A_49 = arith.muli %scan3A_45, %mul3A_48 : i32
      %add3A_50 = arith.addi %mul3A_47, %mul3A_49 : i32
      "tpu.region"() ({
        %run_scoped3A = tpu.sem_alloc : memref<!tpu.dma_semaphore, #tpu.memory_space<semaphore_mem>>
        %dma_start3A_51 = arith.constant 0 : i32
        %dma_start3A_52 = tpu.memref_slice %arg11[%add3A_50, %dma_start3A_51] : memref<10000x128xf32, #tpu.memory_space<vmem_shared>> -> memref<52x128xf32, #tpu.memory_space<vmem_shared>>
        %dma_start3A_53 = arith.constant 0 : i32
        %dma_start3A_54 = tpu.memref_slice %arg11[%add3A_50, %dma_start3A_53] : memref<10000x128xf32, #tpu.memory_space<vmem_shared>> -> memref<52x128xf32, #tpu.memory_space<vmem_shared>>
        tpu.enqueue_dma source(%arg10 : memref<52x128xf32, #tpu.memory_space<vmem>>) target(%dma_start3A_54 : memref<52x128xf32, #tpu.memory_space<vmem_shared>>) target_semaphore(%run_scoped3A : memref<!tpu.dma_semaphore, #tpu.memory_space<semaphore_mem>>)
        %dma_wait3A_55 = arith.constant 0 : i32
        %dma_wait3A_56 = tpu.memref_slice %arg11[%add3A_50, %dma_wait3A_55] : memref<10000x128xf32, #tpu.memory_space<vmem_shared>> -> memref<52x128xf32, #tpu.memory_space<vmem_shared>>
        %dma_wait3A_57 = arith.constant 0 : i32
        %dma_wait3A_58 = tpu.memref_slice %arg11[%add3A_50, %dma_wait3A_57] : memref<10000x128xf32, #tpu.memory_space<vmem_shared>> -> memref<52x128xf32, #tpu.memory_space<vmem_shared>>
        tpu.wait_dma2 semaphore(%run_scoped3A : memref<!tpu.dma_semaphore, #tpu.memory_space<semaphore_mem>>) src(%arg10 : memref<52x128xf32, #tpu.memory_space<vmem>>) dst(%dma_wait3A_58 : memref<52x128xf32, #tpu.memory_space<vmem_shared>>)
        tpu.yield
      }) : () -> ()
    }
    %scan3A_12 = arith.constant 12 : i32
    %eq3A = arith.constant 15 : i32
    %eq3A_13 = arith.cmpi eq, %arg1, %eq3A : i32
    %convert_element_type3A = arith.extui %eq3A_13 : i1 to i32
    %cond3A = arith.constant 0 : i32
    %cond3A_14 = arith.cmpi ne, %convert_element_type3A, %cond3A : i32
    scf.if %cond3A_14 {
      "tpu.region"() ({
        %run_scoped3A = tpu.sem_alloc : memref<!tpu.dma_semaphore, #tpu.memory_space<semaphore_mem>>
        %dma_start3A_45 = arith.constant 0 : i32
        %dma_start3A_46 = arith.constant 0 : i32
        %dma_start3A_47 = tpu.memref_slice %arg10[%dma_start3A_45, %dma_start3A_46] : memref<52x128xf32, #tpu.memory_space<vmem>> -> memref<16x128xf32, #tpu.memory_space<vmem>>
        %dma_start3A_48 = arith.constant 9984 : i32
        %dma_start3A_49 = arith.constant 0 : i32
        %dma_start3A_50 = tpu.memref_slice %arg11[%dma_start3A_48, %dma_start3A_49] : memref<10000x128xf32, #tpu.memory_space<vmem_shared>> -> memref<16x128xf32, #tpu.memory_space<vmem_shared>>
        %dma_start3A_51 = arith.constant 9984 : i32
        %dma_start3A_52 = arith.constant 0 : i32
        %dma_start3A_53 = tpu.memref_slice %arg11[%dma_start3A_51, %dma_start3A_52] : memref<10000x128xf32, #tpu.memory_space<vmem_shared>> -> memref<16x128xf32, #tpu.memory_space<vmem_shared>>
        %dma_start3A_54 = arith.constant 0 : i32
        %dma_start3A_55 = arith.constant 0 : i32
        %dma_start3A_56 = tpu.memref_slice %arg10[%dma_start3A_54, %dma_start3A_55] : memref<52x128xf32, #tpu.memory_space<vmem>> -> memref<16x128xf32, #tpu.memory_space<vmem>>
        tpu.enqueue_dma source(%dma_start3A_56 : memref<16x128xf32, #tpu.memory_space<vmem>>) target(%dma_start3A_53 : memref<16x128xf32, #tpu.memory_space<vmem_shared>>) target_semaphore(%run_scoped3A : memref<!tpu.dma_semaphore, #tpu.memory_space<semaphore_mem>>)
        %dma_wait3A_57 = arith.constant 0 : i32
        %dma_wait3A_58 = arith.constant 0 : i32
        %dma_wait3A_59 = tpu.memref_slice %arg10[%dma_wait3A_57, %dma_wait3A_58] : memref<52x128xf32, #tpu.memory_space<vmem>> -> memref<16x128xf32, #tpu.memory_space<vmem>>
        %dma_wait3A_60 = arith.constant 9984 : i32
        %dma_wait3A_61 = arith.constant 0 : i32
        %dma_wait3A_62 = tpu.memref_slice %arg11[%dma_wait3A_60, %dma_wait3A_61] : memref<10000x128xf32, #tpu.memory_space<vmem_shared>> -> memref<16x128xf32, #tpu.memory_space<vmem_shared>>
        %dma_wait3A_63 = arith.constant 9984 : i32
        %dma_wait3A_64 = arith.constant 0 : i32
        %dma_wait3A_65 = tpu.memref_slice %arg11[%dma_wait3A_63, %dma_wait3A_64] : memref<10000x128xf32, #tpu.memory_space<vmem_shared>> -> memref<16x128xf32, #tpu.memory_space<vmem_shared>>
        %dma_wait3A_66 = arith.constant 0 : i32
        %dma_wait3A_67 = arith.constant 0 : i32
        %dma_wait3A_68 = tpu.memref_slice %arg10[%dma_wait3A_66, %dma_wait3A_67] : memref<52x128xf32, #tpu.memory_space<vmem>> -> memref<16x128xf32, #tpu.memory_space<vmem>>
        tpu.wait_dma2 semaphore(%run_scoped3A : memref<!tpu.dma_semaphore, #tpu.memory_space<semaphore_mem>>) src(%dma_wait3A_68 : memref<16x128xf32, #tpu.memory_space<vmem>>) dst(%dma_wait3A_65 : memref<16x128xf32, #tpu.memory_space<vmem_shared>>)
        tpu.yield
      }) : () -> ()
    } else {
    }
    %mul3A_15 = arith.constant 10000 : i32
    %mul3A_16 = arith.muli %add3A, %mul3A_15 : i32
    "tpu.region"() ({
      %run_scoped3A = tpu.sem_alloc : memref<!tpu.dma_semaphore, #tpu.memory_space<semaphore_mem>>
      %dma_start3A_45 = tpu.memref_slice %arg3[%mul3A_16] : memref<320000xi32, #tpu.memory_space<hbm>> -> memref<10000xi32, #tpu.memory_space<hbm>>
      %dma_start3A_46 = tpu.memref_slice %arg3[%mul3A_16] : memref<320000xi32, #tpu.memory_space<hbm>> -> memref<10000xi32, #tpu.memory_space<hbm>>
      tpu.enqueue_dma source(%dma_start3A_46 : memref<10000xi32, #tpu.memory_space<hbm>>) target(%arg6 : memref<10000xi32, #tpu.memory_space<vmem>>) target_semaphore(%run_scoped3A : memref<!tpu.dma_semaphore, #tpu.memory_space<semaphore_mem>>)
      %dma_wait3A_47 = tpu.memref_slice %arg3[%mul3A_16] : memref<320000xi32, #tpu.memory_space<hbm>> -> memref<10000xi32, #tpu.memory_space<hbm>>
      %dma_wait3A_48 = tpu.memref_slice %arg3[%mul3A_16] : memref<320000xi32, #tpu.memory_space<hbm>> -> memref<10000xi32, #tpu.memory_space<hbm>>
      tpu.wait_dma2 semaphore(%run_scoped3A : memref<!tpu.dma_semaphore, #tpu.memory_space<semaphore_mem>>) src(%dma_wait3A_48 : memref<10000xi32, #tpu.memory_space<hbm>>) dst(%arg6 : memref<10000xi32, #tpu.memory_space<vmem>>)
      tpu.yield
    }) : () -> ()
    "tpu.region"() ({
      %run_scoped3A = tpu.sem_alloc : memref<!tpu.dma_semaphore, #tpu.memory_space<semaphore_mem>>
      %dma_start3A_45 = tpu.memref_slice %arg4[%mul3A_16] : memref<320000xi32, #tpu.memory_space<hbm>> -> memref<10000xi32, #tpu.memory_space<hbm>>
      %dma_start3A_46 = tpu.memref_slice %arg4[%mul3A_16] : memref<320000xi32, #tpu.memory_space<hbm>> -> memref<10000xi32, #tpu.memory_space<hbm>>
      tpu.enqueue_dma source(%dma_start3A_46 : memref<10000xi32, #tpu.memory_space<hbm>>) target(%arg7 : memref<10000xi32, #tpu.memory_space<vmem>>) target_semaphore(%run_scoped3A : memref<!tpu.dma_semaphore, #tpu.memory_space<semaphore_mem>>)
      %dma_wait3A_47 = tpu.memref_slice %arg4[%mul3A_16] : memref<320000xi32, #tpu.memory_space<hbm>> -> memref<10000xi32, #tpu.memory_space<hbm>>
      %dma_wait3A_48 = tpu.memref_slice %arg4[%mul3A_16] : memref<320000xi32, #tpu.memory_space<hbm>> -> memref<10000xi32, #tpu.memory_space<hbm>>
      tpu.wait_dma2 semaphore(%run_scoped3A : memref<!tpu.dma_semaphore, #tpu.memory_space<semaphore_mem>>) src(%dma_wait3A_48 : memref<10000xi32, #tpu.memory_space<hbm>>) dst(%arg7 : memref<10000xi32, #tpu.memory_space<vmem>>)
      tpu.yield
    }) : () -> ()
    %barrier3A = arith.constant 0 : index
    tpu.barrier barrier_id(%barrier3A)
    %dma_start3A = arith.constant 0 : i32
    %dma_start3A_17 = tpu.memref_slice %arg6[%dma_start3A] : memref<10000xi32, #tpu.memory_space<vmem>> -> memref<80xi32, #tpu.memory_space<vmem>>
    %dma_start3A_18 = arith.constant 0 : i32
    %dma_start3A_19 = arith.constant 0 : i32
    %dma_start3A_20 = tpu.memref_slice %arg2[%dma_start3A_18, %dma_start3A_19] : memref<10000x128xf32, #tpu.memory_space<hbm>> -> memref<10000x128xf32, #tpu.memory_space<hbm>>
    tpu.enqueue_indirect_dma source(%dma_start3A_20 : memref<10000x128xf32, #tpu.memory_space<hbm>>) target(%arg8 : memref<80x128xf32, #tpu.memory_space<vmem>>) offsets(%dma_start3A_17 : memref<80xi32, #tpu.memory_space<vmem>>) semaphore(%arg12 : memref<!tpu.dma_semaphore, #tpu.memory_space<semaphore_mem>>)
    %scan3A_21 = arith.constant 0 : i32
    %scan3A_22 = arith.constant 0 : i32
    %scan3A_23 = arith.constant 62 : i32
    %scan3A_24 = arith.addi %scan3A_22, %scan3A_23 : i32
    %scan3A_25 = arith.constant 1 : i32
    scf.for %scan3A_45 = %scan3A_22 to %scan3A_24 step %scan3A_25  : i32 {
      %mul3A_46 = arith.constant 2 : i32
      %mul3A_47 = arith.muli %mul3A_46, %scan3A_45 : i32
      %add3A_48 = arith.constant 0 : i32
      %add3A_49 = arith.addi %mul3A_47, %add3A_48 : i32
      %add3A_50 = arith.constant 1 : i32
      %add3A_51 = arith.addi %add3A_49, %add3A_50 : i32
      %mul3A_52 = arith.constant 80 : i32
      %mul3A_53 = arith.muli %add3A_51, %mul3A_52 : i32
      %dma_start3A_54 = tpu.memref_slice %arg6[%mul3A_53] : memref<10000xi32, #tpu.memory_space<vmem>> -> memref<80xi32, #tpu.memory_space<vmem>>
      %dma_start3A_55 = arith.constant 0 : i32
      %dma_start3A_56 = arith.constant 0 : i32
      %dma_start3A_57 = tpu.memref_slice %arg2[%dma_start3A_55, %dma_start3A_56] : memref<10000x128xf32, #tpu.memory_space<hbm>> -> memref<10000x128xf32, #tpu.memory_space<hbm>>
      tpu.enqueue_indirect_dma source(%dma_start3A_57 : memref<10000x128xf32, #tpu.memory_space<hbm>>) target(%arg9 : memref<80x128xf32, #tpu.memory_space<vmem>>) offsets(%dma_start3A_54 : memref<80xi32, #tpu.memory_space<vmem>>) semaphore(%arg13 : memref<!tpu.dma_semaphore, #tpu.memory_space<semaphore_mem>>)
      %dma_wait3A_58 = arith.constant 0 : i32
      %dma_wait3A_59 = arith.constant 0 : i32
      %dma_wait3A_60 = tpu.memref_slice %arg2[%dma_wait3A_58, %dma_wait3A_59] : memref<10000x128xf32, #tpu.memory_space<hbm>> -> memref<80x128xf32, #tpu.memory_space<hbm>>
      %dma_wait3A_61 = arith.constant 0 : i32
      %dma_wait3A_62 = arith.constant 0 : i32
      %dma_wait3A_63 = tpu.memref_slice %arg2[%dma_wait3A_61, %dma_wait3A_62] : memref<10000x128xf32, #tpu.memory_space<hbm>> -> memref<80x128xf32, #tpu.memory_space<hbm>>
      tpu.wait_dma2 semaphore(%arg12 : memref<!tpu.dma_semaphore, #tpu.memory_space<semaphore_mem>>) src(%dma_wait3A_63 : memref<80x128xf32, #tpu.memory_space<hbm>>) dst(%arg8 : memref<80x128xf32, #tpu.memory_space<vmem>>)
      %mul3A_64 = arith.constant 80 : i32
      %mul3A_65 = arith.muli %add3A_49, %mul3A_64 : i32
      "tpu.region"() ({
        %run_scoped3A = tpu.sem_alloc : memref<!tpu.dma_semaphore, #tpu.memory_space<semaphore_mem>>
        %dma_start3A_86 = tpu.memref_slice %arg7[%mul3A_65] : memref<10000xi32, #tpu.memory_space<vmem>> -> memref<80xi32, #tpu.memory_space<vmem>>
        %dma_start3A_87 = arith.constant 0 : i32
        %dma_start3A_88 = arith.constant 0 : i32
        %dma_start3A_89 = tpu.memref_slice %arg11[%dma_start3A_87, %dma_start3A_88] : memref<10000x128xf32, #tpu.memory_space<vmem_shared>> -> memref<10000x128xf32, #tpu.memory_space<vmem_shared>>
        tpu.enqueue_indirect_dma source(%arg8 : memref<80x128xf32, #tpu.memory_space<vmem>>) target(%dma_start3A_89 : memref<10000x128xf32, #tpu.memory_space<vmem_shared>>) offsets(%dma_start3A_86 : memref<80xi32, #tpu.memory_space<vmem>>) semaphore(%run_scoped3A : memref<!tpu.dma_semaphore, #tpu.memory_space<semaphore_mem>>) {add = true}
        %dma_wait3A_90 = tpu.memref_slice %arg7[%mul3A_65] : memref<10000xi32, #tpu.memory_space<vmem>> -> memref<80xi32, #tpu.memory_space<vmem>>
        %dma_wait3A_91 = arith.constant 0 : i32
        %dma_wait3A_92 = arith.constant 0 : i32
        %dma_wait3A_93 = tpu.memref_slice %arg11[%dma_wait3A_91, %dma_wait3A_92] : memref<10000x128xf32, #tpu.memory_space<vmem_shared>> -> memref<10000x128xf32, #tpu.memory_space<vmem_shared>>
        tpu.wait_indirect_dma semaphore(%run_scoped3A : memref<!tpu.dma_semaphore, #tpu.memory_space<semaphore_mem>>) src(%arg8 : memref<80x128xf32, #tpu.memory_space<vmem>>) dst(%dma_wait3A_93 : memref<10000x128xf32, #tpu.memory_space<vmem_shared>>)
        tpu.yield
      }) : () -> ()
      %mul3A_66 = arith.constant 2 : i32
      %mul3A_67 = arith.muli %mul3A_66, %scan3A_45 : i32
      %add3A_68 = arith.constant 1 : i32
      %add3A_69 = arith.addi %mul3A_67, %add3A_68 : i32
      %add3A_70 = arith.constant 1 : i32
      %add3A_71 = arith.addi %add3A_69, %add3A_70 : i32
      %mul3A_72 = arith.constant 80 : i32
      %mul3A_73 = arith.muli %add3A_71, %mul3A_72 : i32
      %dma_start3A_74 = tpu.memref_slice %arg6[%mul3A_73] : memref<10000xi32, #tpu.memory_space<vmem>> -> memref<80xi32, #tpu.memory_space<vmem>>
      %dma_start3A_75 = arith.constant 0 : i32
      %dma_start3A_76 = arith.constant 0 : i32
      %dma_start3A_77 = tpu.memref_slice %arg2[%dma_start3A_75, %dma_start3A_76] : memref<10000x128xf32, #tpu.memory_space<hbm>> -> memref<10000x128xf32, #tpu.memory_space<hbm>>
      tpu.enqueue_indirect_dma source(%dma_start3A_77 : memref<10000x128xf32, #tpu.memory_space<hbm>>) target(%arg8 : memref<80x128xf32, #tpu.memory_space<vmem>>) offsets(%dma_start3A_74 : memref<80xi32, #tpu.memory_space<vmem>>) semaphore(%arg12 : memref<!tpu.dma_semaphore, #tpu.memory_space<semaphore_mem>>)
      %dma_wait3A_78 = arith.constant 0 : i32
      %dma_wait3A_79 = arith.constant 0 : i32
      %dma_wait3A_80 = tpu.memref_slice %arg2[%dma_wait3A_78, %dma_wait3A_79] : memref<10000x128xf32, #tpu.memory_space<hbm>> -> memref<80x128xf32, #tpu.memory_space<hbm>>
      %dma_wait3A_81 = arith.constant 0 : i32
      %dma_wait3A_82 = arith.constant 0 : i32
      %dma_wait3A_83 = tpu.memref_slice %arg2[%dma_wait3A_81, %dma_wait3A_82] : memref<10000x128xf32, #tpu.memory_space<hbm>> -> memref<80x128xf32, #tpu.memory_space<hbm>>
      tpu.wait_dma2 semaphore(%arg13 : memref<!tpu.dma_semaphore, #tpu.memory_space<semaphore_mem>>) src(%dma_wait3A_83 : memref<80x128xf32, #tpu.memory_space<hbm>>) dst(%arg9 : memref<80x128xf32, #tpu.memory_space<vmem>>)
      %mul3A_84 = arith.constant 80 : i32
      %mul3A_85 = arith.muli %add3A_69, %mul3A_84 : i32
      "tpu.region"() ({
        %run_scoped3A = tpu.sem_alloc : memref<!tpu.dma_semaphore, #tpu.memory_space<semaphore_mem>>
        %dma_start3A_86 = tpu.memref_slice %arg7[%mul3A_85] : memref<10000xi32, #tpu.memory_space<vmem>> -> memref<80xi32, #tpu.memory_space<vmem>>
        %dma_start3A_87 = arith.constant 0 : i32
        %dma_start3A_88 = arith.constant 0 : i32
        %dma_start3A_89 = tpu.memref_slice %arg11[%dma_start3A_87, %dma_start3A_88] : memref<10000x128xf32, #tpu.memory_space<vmem_shared>> -> memref<10000x128xf32, #tpu.memory_space<vmem_shared>>
        tpu.enqueue_indirect_dma source(%arg9 : memref<80x128xf32, #tpu.memory_space<vmem>>) target(%dma_start3A_89 : memref<10000x128xf32, #tpu.memory_space<vmem_shared>>) offsets(%dma_start3A_86 : memref<80xi32, #tpu.memory_space<vmem>>) semaphore(%run_scoped3A : memref<!tpu.dma_semaphore, #tpu.memory_space<semaphore_mem>>) {add = true}
        %dma_wait3A_90 = tpu.memref_slice %arg7[%mul3A_85] : memref<10000xi32, #tpu.memory_space<vmem>> -> memref<80xi32, #tpu.memory_space<vmem>>
        %dma_wait3A_91 = arith.constant 0 : i32
        %dma_wait3A_92 = arith.constant 0 : i32
        %dma_wait3A_93 = tpu.memref_slice %arg11[%dma_wait3A_91, %dma_wait3A_92] : memref<10000x128xf32, #tpu.memory_space<vmem_shared>> -> memref<10000x128xf32, #tpu.memory_space<vmem_shared>>
        tpu.wait_indirect_dma semaphore(%run_scoped3A : memref<!tpu.dma_semaphore, #tpu.memory_space<semaphore_mem>>) src(%arg9 : memref<80x128xf32, #tpu.memory_space<vmem>>) dst(%dma_wait3A_93 : memref<10000x128xf32, #tpu.memory_space<vmem_shared>>)
        tpu.yield
      }) : () -> ()
    }
    %scan3A_26 = arith.constant 62 : i32
    %dma_wait3A = arith.constant 0 : i32
    %dma_wait3A_27 = arith.constant 0 : i32
    %dma_wait3A_28 = tpu.memref_slice %arg2[%dma_wait3A, %dma_wait3A_27] : memref<10000x128xf32, #tpu.memory_space<hbm>> -> memref<80x128xf32, #tpu.memory_space<hbm>>
    %dma_wait3A_29 = arith.constant 0 : i32
    %dma_wait3A_30 = arith.constant 0 : i32
    %dma_wait3A_31 = tpu.memref_slice %arg2[%dma_wait3A_29, %dma_wait3A_30] : memref<10000x128xf32, #tpu.memory_space<hbm>> -> memref<80x128xf32, #tpu.memory_space<hbm>>
    tpu.wait_dma2 semaphore(%arg12 : memref<!tpu.dma_semaphore, #tpu.memory_space<semaphore_mem>>) src(%dma_wait3A_31 : memref<80x128xf32, #tpu.memory_space<hbm>>) dst(%arg8 : memref<80x128xf32, #tpu.memory_space<vmem>>)
    "tpu.region"() ({
      %run_scoped3A = tpu.sem_alloc : memref<!tpu.dma_semaphore, #tpu.memory_space<semaphore_mem>>
      %dma_start3A_45 = arith.constant 9920 : i32
      %dma_start3A_46 = tpu.memref_slice %arg7[%dma_start3A_45] : memref<10000xi32, #tpu.memory_space<vmem>> -> memref<80xi32, #tpu.memory_space<vmem>>
      %dma_start3A_47 = arith.constant 0 : i32
      %dma_start3A_48 = arith.constant 0 : i32
      %dma_start3A_49 = tpu.memref_slice %arg11[%dma_start3A_47, %dma_start3A_48] : memref<10000x128xf32, #tpu.memory_space<vmem_shared>> -> memref<10000x128xf32, #tpu.memory_space<vmem_shared>>
      tpu.enqueue_indirect_dma source(%arg8 : memref<80x128xf32, #tpu.memory_space<vmem>>) target(%dma_start3A_49 : memref<10000x128xf32, #tpu.memory_space<vmem_shared>>) offsets(%dma_start3A_46 : memref<80xi32, #tpu.memory_space<vmem>>) semaphore(%run_scoped3A : memref<!tpu.dma_semaphore, #tpu.memory_space<semaphore_mem>>) {add = true}
      %dma_wait3A_50 = arith.constant 9920 : i32
      %dma_wait3A_51 = tpu.memref_slice %arg7[%dma_wait3A_50] : memref<10000xi32, #tpu.memory_space<vmem>> -> memref<80xi32, #tpu.memory_space<vmem>>
      %dma_wait3A_52 = arith.constant 0 : i32
      %dma_wait3A_53 = arith.constant 0 : i32
      %dma_wait3A_54 = tpu.memref_slice %arg11[%dma_wait3A_52, %dma_wait3A_53] : memref<10000x128xf32, #tpu.memory_space<vmem_shared>> -> memref<10000x128xf32, #tpu.memory_space<vmem_shared>>
      tpu.wait_indirect_dma semaphore(%run_scoped3A : memref<!tpu.dma_semaphore, #tpu.memory_space<semaphore_mem>>) src(%arg8 : memref<80x128xf32, #tpu.memory_space<vmem>>) dst(%dma_wait3A_54 : memref<10000x128xf32, #tpu.memory_space<vmem_shared>>)
      tpu.yield
    }) : () -> ()
    %barrier3A_32 = arith.constant 0 : index
    tpu.barrier barrier_id(%barrier3A_32)
    %mul3A_33 = arith.constant 624 : i32
    %mul3A_34 = arith.muli %arg1, %mul3A_33 : i32
    %mul3A_35 = arith.constant 10000 : i32
    %mul3A_36 = arith.muli %arg0, %mul3A_35 : i32
    %mul3A_37 = arith.constant 624 : i32
    %mul3A_38 = arith.muli %arg1, %mul3A_37 : i32
    %add3A_39 = arith.addi %mul3A_36, %mul3A_38 : i32
    "tpu.region"() ({
      %run_scoped3A = tpu.sem_alloc : memref<!tpu.dma_semaphore, #tpu.memory_space<semaphore_mem>>
      %dma_start3A_45 = arith.constant 0 : i32
      %dma_start3A_46 = tpu.memref_slice %arg5[%add3A_39, %dma_start3A_45] : memref<20000x128xf32, #tpu.memory_space<hbm>> -> memref<624x128xf32, #tpu.memory_space<hbm>>
      %dma_start3A_47 = arith.constant 0 : i32
      %dma_start3A_48 = tpu.memref_slice %arg11[%mul3A_34, %dma_start3A_47] : memref<10000x128xf32, #tpu.memory_space<vmem_shared>> -> memref<624x128xf32, #tpu.memory_space<vmem_shared>>
      tpu.enqueue_dma source(%dma_start3A_48 : memref<624x128xf32, #tpu.memory_space<vmem_shared>>) target(%dma_start3A_46 : memref<624x128xf32, #tpu.memory_space<hbm>>) target_semaphore(%run_scoped3A : memref<!tpu.dma_semaphore, #tpu.memory_space<semaphore_mem>>)
      %dma_wait3A_49 = arith.constant 0 : i32
      %dma_wait3A_50 = tpu.memref_slice %arg5[%add3A_39, %dma_wait3A_49] : memref<20000x128xf32, #tpu.memory_space<hbm>> -> memref<624x128xf32, #tpu.memory_space<hbm>>
      %dma_wait3A_51 = arith.constant 0 : i32
      %dma_wait3A_52 = tpu.memref_slice %arg11[%mul3A_34, %dma_wait3A_51] : memref<10000x128xf32, #tpu.memory_space<vmem_shared>> -> memref<624x128xf32, #tpu.memory_space<vmem_shared>>
      tpu.wait_dma2 semaphore(%run_scoped3A : memref<!tpu.dma_semaphore, #tpu.memory_space<semaphore_mem>>) src(%dma_wait3A_52 : memref<624x128xf32, #tpu.memory_space<vmem_shared>>) dst(%dma_wait3A_50 : memref<624x128xf32, #tpu.memory_space<hbm>>)
      tpu.yield
    }) : () -> ()
    %eq3A_40 = arith.constant 15 : i32
    %eq3A_41 = arith.cmpi eq, %arg1, %eq3A_40 : i32
    %convert_element_type3A_42 = arith.extui %eq3A_41 : i1 to i32
    %cond3A_43 = arith.constant 0 : i32
    %cond3A_44 = arith.cmpi ne, %convert_element_type3A_42, %cond3A_43 : i32
    scf.if %cond3A_44 {
      %mul3A_45 = arith.constant 10000 : i32
      %mul3A_46 = arith.muli %arg0, %mul3A_45 : i32
      %add3A_47 = arith.constant 9984 : i32
      %add3A_48 = arith.addi %mul3A_46, %add3A_47 : i32
      "tpu.region"() ({
        %run_scoped3A = tpu.sem_alloc : memref<!tpu.dma_semaphore, #tpu.memory_space<semaphore_mem>>
        %dma_start3A_49 = arith.constant 0 : i32
        %dma_start3A_50 = tpu.memref_slice %arg5[%add3A_48, %dma_start3A_49] : memref<20000x128xf32, #tpu.memory_space<hbm>> -> memref<16x128xf32, #tpu.memory_space<hbm>>
        %dma_start3A_51 = arith.constant 9984 : i32
        %dma_start3A_52 = arith.constant 0 : i32
        %dma_start3A_53 = tpu.memref_slice %arg11[%dma_start3A_51, %dma_start3A_52] : memref<10000x128xf32, #tpu.memory_space<vmem_shared>> -> memref<16x128xf32, #tpu.memory_space<vmem_shared>>
        tpu.enqueue_dma source(%dma_start3A_53 : memref<16x128xf32, #tpu.memory_space<vmem_shared>>) target(%dma_start3A_50 : memref<16x128xf32, #tpu.memory_space<hbm>>) target_semaphore(%run_scoped3A : memref<!tpu.dma_semaphore, #tpu.memory_space<semaphore_mem>>)
        %dma_wait3A_54 = arith.constant 0 : i32
        %dma_wait3A_55 = tpu.memref_slice %arg5[%add3A_48, %dma_wait3A_54] : memref<20000x128xf32, #tpu.memory_space<hbm>> -> memref<16x128xf32, #tpu.memory_space<hbm>>
        %dma_wait3A_56 = arith.constant 9984 : i32
        %dma_wait3A_57 = arith.constant 0 : i32
        %dma_wait3A_58 = tpu.memref_slice %arg11[%dma_wait3A_56, %dma_wait3A_57] : memref<10000x128xf32, #tpu.memory_space<vmem_shared>> -> memref<16x128xf32, #tpu.memory_space<vmem_shared>>
        tpu.wait_dma2 semaphore(%run_scoped3A : memref<!tpu.dma_semaphore, #tpu.memory_space<semaphore_mem>>) src(%dma_wait3A_58 : memref<16x128xf32, #tpu.memory_space<vmem_shared>>) dst(%dma_wait3A_55 : memref<16x128xf32, #tpu.memory_space<hbm>>)
        tpu.yield
      }) : () -> ()
    } else {
    }
    return
  }
}

#map = affine_map<(d0, d1) -> (0)>
module attributes {stable_mosaic.version = 14 : i64} {
  func.func @deg_kernel(%arg0: i32, %arg1: i32, %arg2: memref<320000xi32, #tpu.memory_space<hbm>>, %arg3: memref<20000xf32, #tpu.memory_space<hbm>>, %arg4: memref<10000xi32, #tpu.memory_space<vmem>>, %arg5: memref<80xf32, #tpu.memory_space<vmem>>, %arg6: memref<624xf32, #tpu.memory_space<vmem>>, %arg7: memref<10000xf32, #tpu.memory_space<vmem_shared>>, %arg8: memref<!tpu.dma_semaphore, #tpu.memory_space<semaphore_mem>>, %arg9: memref<!tpu.dma_semaphore, #tpu.memory_space<semaphore_mem>>) attributes {dimension_semantics = [#tpu.dimension_semantics<core_parallel>, #tpu.dimension_semantics<subcore_parallel>], iteration_bounds = array<i64: 2, 16>, scalar_prefetch = 0 : i64, scratch_operands = 6 : i64, tpu.core_type = #tpu.core_type<sc_vector_subcore>, window_params = [{transform_indices = #map}, {transform_indices = #map}]} {
    %mul3A = arith.constant 2 : i32
    %mul3A_0 = arith.muli %arg1, %mul3A : i32
    %add3A = arith.addi %mul3A_0, %arg0 : i32
    %broadcast_in_dim3A = arith.constant 1.000000e+00 : f32
    %broadcast_in_dim3A_1 = vector.broadcast %broadcast_in_dim3A : f32 to vector<16xf32>
    %broadcast_in_dim3A_2 = arith.constant 0.000000e+00 : f32
    %broadcast_in_dim3A_3 = vector.broadcast %broadcast_in_dim3A_2 : f32 to vector<16xf32>
    %scan3A = arith.constant 0 : i32
    %scan3A_4 = arith.constant 0 : i32
    %scan3A_5 = arith.constant 5 : i32
    %scan3A_6 = arith.addi %scan3A_4, %scan3A_5 : i32
    %scan3A_7 = arith.constant 1 : i32
    scf.for %scan3A_46 = %scan3A_4 to %scan3A_6 step %scan3A_7  : i32 {
      %mul3A_47 = arith.constant 16 : i32
      %mul3A_48 = arith.muli %scan3A_46, %mul3A_47 : i32
      %swap3A = arith.index_cast %mul3A_48 : i32 to index
      %swap3A_49 = tpu.vector_load %arg5[%swap3A] {strides = array<i32>} : memref<80xf32, #tpu.memory_space<vmem>>, vector<16xf32>,
      %swap3A_50 = vector.shape_cast %swap3A_49 : vector<16xf32> to vector<16xf32>
      %swap3A_51 = vector.shape_cast %broadcast_in_dim3A_1 : vector<16xf32> to vector<16xf32>
      tpu.vector_store %arg5[%swap3A], %swap3A_51 {strides = array<i32>} : memref<80xf32, #tpu.memory_space<vmem>>, vector<16xf32>,
    }
    %scan3A_8 = arith.constant 5 : i32
    %scan3A_9 = arith.constant 0 : i32
    %scan3A_10 = arith.constant 0 : i32
    %scan3A_11 = arith.constant 39 : i32
    %scan3A_12 = arith.addi %scan3A_10, %scan3A_11 : i32
    %scan3A_13 = arith.constant 1 : i32
    scf.for %scan3A_46 = %scan3A_10 to %scan3A_12 step %scan3A_13  : i32 {
      %mul3A_47 = arith.constant 16 : i32
      %mul3A_48 = arith.muli %scan3A_46, %mul3A_47 : i32
      %swap3A = arith.index_cast %mul3A_48 : i32 to index
      %swap3A_49 = tpu.vector_load %arg6[%swap3A] {strides = array<i32>} : memref<624xf32, #tpu.memory_space<vmem>>, vector<16xf32>,
      %swap3A_50 = vector.shape_cast %swap3A_49 : vector<16xf32> to vector<16xf32>
      %swap3A_51 = vector.shape_cast %broadcast_in_dim3A_3 : vector<16xf32> to vector<16xf32>
      tpu.vector_store %arg6[%swap3A], %swap3A_51 {strides = array<i32>} : memref<624xf32, #tpu.memory_space<vmem>>, vector<16xf32>,
    }
    %scan3A_14 = arith.constant 39 : i32
    %mul3A_15 = arith.constant 624 : i32
    %mul3A_16 = arith.muli %arg1, %mul3A_15 : i32
    "tpu.region"() ({
      %run_scoped3A = tpu.sem_alloc : memref<!tpu.dma_semaphore, #tpu.memory_space<semaphore_mem>>
      %dma_start3A_46 = tpu.memref_slice %arg7[%mul3A_16] : memref<10000xf32, #tpu.memory_space<vmem_shared>> -> memref<624xf32, #tpu.memory_space<vmem_shared>>
      %dma_start3A_47 = tpu.memref_slice %arg7[%mul3A_16] : memref<10000xf32, #tpu.memory_space<vmem_shared>> -> memref<624xf32, #tpu.memory_space<vmem_shared>>
      tpu.enqueue_dma source(%arg6 : memref<624xf32, #tpu.memory_space<vmem>>) target(%dma_start3A_47 : memref<624xf32, #tpu.memory_space<vmem_shared>>) target_semaphore(%run_scoped3A : memref<!tpu.dma_semaphore, #tpu.memory_space<semaphore_mem>>)
      %dma_wait3A_48 = tpu.memref_slice %arg7[%mul3A_16] : memref<10000xf32, #tpu.memory_space<vmem_shared>> -> memref<624xf32, #tpu.memory_space<vmem_shared>>
      %dma_wait3A_49 = tpu.memref_slice %arg7[%mul3A_16] : memref<10000xf32, #tpu.memory_space<vmem_shared>> -> memref<624xf32, #tpu.memory_space<vmem_shared>>
      tpu.wait_dma2 semaphore(%run_scoped3A : memref<!tpu.dma_semaphore, #tpu.memory_space<semaphore_mem>>) src(%arg6 : memref<624xf32, #tpu.memory_space<vmem>>) dst(%dma_wait3A_49 : memref<624xf32, #tpu.memory_space<vmem_shared>>)
      tpu.yield
    }) : () -> ()
    %eq3A = arith.constant 15 : i32
    %eq3A_17 = arith.cmpi eq, %arg1, %eq3A : i32
    %convert_element_type3A = arith.extui %eq3A_17 : i1 to i32
    %cond3A = arith.constant 0 : i32
    %cond3A_18 = arith.cmpi ne, %convert_element_type3A, %cond3A : i32
    scf.if %cond3A_18 {
      "tpu.region"() ({
        %run_scoped3A = tpu.sem_alloc : memref<!tpu.dma_semaphore, #tpu.memory_space<semaphore_mem>>
        %dma_start3A_46 = arith.constant 0 : i32
        %dma_start3A_47 = tpu.memref_slice %arg6[%dma_start3A_46] : memref<624xf32, #tpu.memory_space<vmem>> -> memref<16xf32, #tpu.memory_space<vmem>>
        %dma_start3A_48 = arith.constant 9984 : i32
        %dma_start3A_49 = tpu.memref_slice %arg7[%dma_start3A_48] : memref<10000xf32, #tpu.memory_space<vmem_shared>> -> memref<16xf32, #tpu.memory_space<vmem_shared>>
        %dma_start3A_50 = arith.constant 9984 : i32
        %dma_start3A_51 = tpu.memref_slice %arg7[%dma_start3A_50] : memref<10000xf32, #tpu.memory_space<vmem_shared>> -> memref<16xf32, #tpu.memory_space<vmem_shared>>
        %dma_start3A_52 = arith.constant 0 : i32
        %dma_start3A_53 = tpu.memref_slice %arg6[%dma_start3A_52] : memref<624xf32, #tpu.memory_space<vmem>> -> memref<16xf32, #tpu.memory_space<vmem>>
        tpu.enqueue_dma source(%dma_start3A_53 : memref<16xf32, #tpu.memory_space<vmem>>) target(%dma_start3A_51 : memref<16xf32, #tpu.memory_space<vmem_shared>>) target_semaphore(%run_scoped3A : memref<!tpu.dma_semaphore, #tpu.memory_space<semaphore_mem>>)
        %dma_wait3A_54 = arith.constant 0 : i32
        %dma_wait3A_55 = tpu.memref_slice %arg6[%dma_wait3A_54] : memref<624xf32, #tpu.memory_space<vmem>> -> memref<16xf32, #tpu.memory_space<vmem>>
        %dma_wait3A_56 = arith.constant 9984 : i32
        %dma_wait3A_57 = tpu.memref_slice %arg7[%dma_wait3A_56] : memref<10000xf32, #tpu.memory_space<vmem_shared>> -> memref<16xf32, #tpu.memory_space<vmem_shared>>
        %dma_wait3A_58 = arith.constant 9984 : i32
        %dma_wait3A_59 = tpu.memref_slice %arg7[%dma_wait3A_58] : memref<10000xf32, #tpu.memory_space<vmem_shared>> -> memref<16xf32, #tpu.memory_space<vmem_shared>>
        %dma_wait3A_60 = arith.constant 0 : i32
        %dma_wait3A_61 = tpu.memref_slice %arg6[%dma_wait3A_60] : memref<624xf32, #tpu.memory_space<vmem>> -> memref<16xf32, #tpu.memory_space<vmem>>
        tpu.wait_dma2 semaphore(%run_scoped3A : memref<!tpu.dma_semaphore, #tpu.memory_space<semaphore_mem>>) src(%dma_wait3A_61 : memref<16xf32, #tpu.memory_space<vmem>>) dst(%dma_wait3A_59 : memref<16xf32, #tpu.memory_space<vmem_shared>>)
        tpu.yield
      }) : () -> ()
    } else {
    }
    %mul3A_19 = arith.constant 10000 : i32
    %mul3A_20 = arith.muli %add3A, %mul3A_19 : i32
    "tpu.region"() ({
      %run_scoped3A = tpu.sem_alloc : memref<!tpu.dma_semaphore, #tpu.memory_space<semaphore_mem>>
      %dma_start3A_46 = tpu.memref_slice %arg2[%mul3A_20] : memref<320000xi32, #tpu.memory_space<hbm>> -> memref<10000xi32, #tpu.memory_space<hbm>>
      %dma_start3A_47 = tpu.memref_slice %arg2[%mul3A_20] : memref<320000xi32, #tpu.memory_space<hbm>> -> memref<10000xi32, #tpu.memory_space<hbm>>
      tpu.enqueue_dma source(%dma_start3A_47 : memref<10000xi32, #tpu.memory_space<hbm>>) target(%arg4 : memref<10000xi32, #tpu.memory_space<vmem>>) target_semaphore(%run_scoped3A : memref<!tpu.dma_semaphore, #tpu.memory_space<semaphore_mem>>)
      %dma_wait3A_48 = tpu.memref_slice %arg2[%mul3A_20] : memref<320000xi32, #tpu.memory_space<hbm>> -> memref<10000xi32, #tpu.memory_space<hbm>>
      %dma_wait3A_49 = tpu.memref_slice %arg2[%mul3A_20] : memref<320000xi32, #tpu.memory_space<hbm>> -> memref<10000xi32, #tpu.memory_space<hbm>>
      tpu.wait_dma2 semaphore(%run_scoped3A : memref<!tpu.dma_semaphore, #tpu.memory_space<semaphore_mem>>) src(%dma_wait3A_49 : memref<10000xi32, #tpu.memory_space<hbm>>) dst(%arg4 : memref<10000xi32, #tpu.memory_space<vmem>>)
      tpu.yield
    }) : () -> ()
    %barrier3A = arith.constant 0 : index
    tpu.barrier barrier_id(%barrier3A)
    %dma_start3A = arith.constant 0 : i32
    %dma_start3A_21 = tpu.memref_slice %arg4[%dma_start3A] : memref<10000xi32, #tpu.memory_space<vmem>> -> memref<80xi32, #tpu.memory_space<vmem>>
    %dma_start3A_22 = arith.constant 0 : i32
    %dma_start3A_23 = tpu.memref_slice %arg7[%dma_start3A_22] : memref<10000xf32, #tpu.memory_space<vmem_shared>> -> memref<10000xf32, #tpu.memory_space<vmem_shared>>
    tpu.enqueue_indirect_dma source(%arg5 : memref<80xf32, #tpu.memory_space<vmem>>) target(%dma_start3A_23 : memref<10000xf32, #tpu.memory_space<vmem_shared>>) offsets(%dma_start3A_21 : memref<80xi32, #tpu.memory_space<vmem>>) semaphore(%arg8 : memref<!tpu.dma_semaphore, #tpu.memory_space<semaphore_mem>>) {add = true}
    %scan3A_24 = arith.constant 0 : i32
    %scan3A_25 = arith.constant 0 : i32
    %scan3A_26 = arith.constant 62 : i32
    %scan3A_27 = arith.addi %scan3A_25, %scan3A_26 : i32
    %scan3A_28 = arith.constant 1 : i32
    scf.for %scan3A_46 = %scan3A_25 to %scan3A_27 step %scan3A_28  : i32 {
      %mul3A_47 = arith.constant 2 : i32
      %mul3A_48 = arith.muli %mul3A_47, %scan3A_46 : i32
      %add3A_49 = arith.constant 0 : i32
      %add3A_50 = arith.addi %mul3A_48, %add3A_49 : i32
      %add3A_51 = arith.constant 1 : i32
      %add3A_52 = arith.addi %add3A_50, %add3A_51 : i32
      %mul3A_53 = arith.constant 80 : i32
      %mul3A_54 = arith.muli %add3A_52, %mul3A_53 : i32
      %dma_start3A_55 = tpu.memref_slice %arg4[%mul3A_54] : memref<10000xi32, #tpu.memory_space<vmem>> -> memref<80xi32, #tpu.memory_space<vmem>>
      %dma_start3A_56 = arith.constant 0 : i32
      %dma_start3A_57 = tpu.memref_slice %arg7[%dma_start3A_56] : memref<10000xf32, #tpu.memory_space<vmem_shared>> -> memref<10000xf32, #tpu.memory_space<vmem_shared>>
      tpu.enqueue_indirect_dma source(%arg5 : memref<80xf32, #tpu.memory_space<vmem>>) target(%dma_start3A_57 : memref<10000xf32, #tpu.memory_space<vmem_shared>>) offsets(%dma_start3A_55 : memref<80xi32, #tpu.memory_space<vmem>>) semaphore(%arg9 : memref<!tpu.dma_semaphore, #tpu.memory_space<semaphore_mem>>) {add = true}
      %dma_wait3A_58 = arith.constant 0 : i32
      %dma_wait3A_59 = tpu.memref_slice %arg7[%dma_wait3A_58] : memref<10000xf32, #tpu.memory_space<vmem_shared>> -> memref<80xf32, #tpu.memory_space<vmem_shared>>
      %dma_wait3A_60 = arith.constant 0 : i32
      %dma_wait3A_61 = tpu.memref_slice %arg7[%dma_wait3A_60] : memref<10000xf32, #tpu.memory_space<vmem_shared>> -> memref<80xf32, #tpu.memory_space<vmem_shared>>
      tpu.wait_dma2 semaphore(%arg8 : memref<!tpu.dma_semaphore, #tpu.memory_space<semaphore_mem>>) src(%arg5 : memref<80xf32, #tpu.memory_space<vmem>>) dst(%dma_wait3A_61 : memref<80xf32, #tpu.memory_space<vmem_shared>>)
      %mul3A_62 = arith.constant 2 : i32
      %mul3A_63 = arith.muli %mul3A_62, %scan3A_46 : i32
      %add3A_64 = arith.constant 1 : i32
      %add3A_65 = arith.addi %mul3A_63, %add3A_64 : i32
      %add3A_66 = arith.constant 1 : i32
      %add3A_67 = arith.addi %add3A_65, %add3A_66 : i32
      %mul3A_68 = arith.constant 80 : i32
      %mul3A_69 = arith.muli %add3A_67, %mul3A_68 : i32
      %dma_start3A_70 = tpu.memref_slice %arg4[%mul3A_69] : memref<10000xi32, #tpu.memory_space<vmem>> -> memref<80xi32, #tpu.memory_space<vmem>>
      %dma_start3A_71 = arith.constant 0 : i32
      %dma_start3A_72 = tpu.memref_slice %arg7[%dma_start3A_71] : memref<10000xf32, #tpu.memory_space<vmem_shared>> -> memref<10000xf32, #tpu.memory_space<vmem_shared>>
      tpu.enqueue_indirect_dma source(%arg5 : memref<80xf32, #tpu.memory_space<vmem>>) target(%dma_start3A_72 : memref<10000xf32, #tpu.memory_space<vmem_shared>>) offsets(%dma_start3A_70 : memref<80xi32, #tpu.memory_space<vmem>>) semaphore(%arg8 : memref<!tpu.dma_semaphore, #tpu.memory_space<semaphore_mem>>) {add = true}
      %dma_wait3A_73 = arith.constant 0 : i32
      %dma_wait3A_74 = tpu.memref_slice %arg7[%dma_wait3A_73] : memref<10000xf32, #tpu.memory_space<vmem_shared>> -> memref<80xf32, #tpu.memory_space<vmem_shared>>
      %dma_wait3A_75 = arith.constant 0 : i32
      %dma_wait3A_76 = tpu.memref_slice %arg7[%dma_wait3A_75] : memref<10000xf32, #tpu.memory_space<vmem_shared>> -> memref<80xf32, #tpu.memory_space<vmem_shared>>
      tpu.wait_dma2 semaphore(%arg9 : memref<!tpu.dma_semaphore, #tpu.memory_space<semaphore_mem>>) src(%arg5 : memref<80xf32, #tpu.memory_space<vmem>>) dst(%dma_wait3A_76 : memref<80xf32, #tpu.memory_space<vmem_shared>>)
    }
    %scan3A_29 = arith.constant 62 : i32
    %dma_wait3A = arith.constant 0 : i32
    %dma_wait3A_30 = tpu.memref_slice %arg7[%dma_wait3A] : memref<10000xf32, #tpu.memory_space<vmem_shared>> -> memref<80xf32, #tpu.memory_space<vmem_shared>>
    %dma_wait3A_31 = arith.constant 0 : i32
    %dma_wait3A_32 = tpu.memref_slice %arg7[%dma_wait3A_31] : memref<10000xf32, #tpu.memory_space<vmem_shared>> -> memref<80xf32, #tpu.memory_space<vmem_shared>>
    tpu.wait_dma2 semaphore(%arg8 : memref<!tpu.dma_semaphore, #tpu.memory_space<semaphore_mem>>) src(%arg5 : memref<80xf32, #tpu.memory_space<vmem>>) dst(%dma_wait3A_32 : memref<80xf32, #tpu.memory_space<vmem_shared>>)
    %barrier3A_33 = arith.constant 0 : index
    tpu.barrier barrier_id(%barrier3A_33)
    %mul3A_34 = arith.constant 624 : i32
    %mul3A_35 = arith.muli %arg1, %mul3A_34 : i32
    "tpu.region"() ({
      %run_scoped3A = tpu.sem_alloc : memref<!tpu.dma_semaphore, #tpu.memory_space<semaphore_mem>>
      %dma_start3A_46 = tpu.memref_slice %arg7[%mul3A_35] : memref<10000xf32, #tpu.memory_space<vmem_shared>> -> memref<624xf32, #tpu.memory_space<vmem_shared>>
      %dma_start3A_47 = tpu.memref_slice %arg7[%mul3A_35] : memref<10000xf32, #tpu.memory_space<vmem_shared>> -> memref<624xf32, #tpu.memory_space<vmem_shared>>
      tpu.enqueue_dma source(%dma_start3A_47 : memref<624xf32, #tpu.memory_space<vmem_shared>>) target(%arg6 : memref<624xf32, #tpu.memory_space<vmem>>) target_semaphore(%run_scoped3A : memref<!tpu.dma_semaphore, #tpu.memory_space<semaphore_mem>>)
      %dma_wait3A_48 = tpu.memref_slice %arg7[%mul3A_35] : memref<10000xf32, #tpu.memory_space<vmem_shared>> -> memref<624xf32, #tpu.memory_space<vmem_shared>>
      %dma_wait3A_49 = tpu.memref_slice %arg7[%mul3A_35] : memref<10000xf32, #tpu.memory_space<vmem_shared>> -> memref<624xf32, #tpu.memory_space<vmem_shared>>
      tpu.wait_dma2 semaphore(%run_scoped3A : memref<!tpu.dma_semaphore, #tpu.memory_space<semaphore_mem>>) src(%dma_wait3A_49 : memref<624xf32, #tpu.memory_space<vmem_shared>>) dst(%arg6 : memref<624xf32, #tpu.memory_space<vmem>>)
      tpu.yield
    }) : () -> ()
    %mul3A_36 = arith.constant 10000 : i32
    %mul3A_37 = arith.muli %arg0, %mul3A_36 : i32
    %mul3A_38 = arith.constant 624 : i32
    %mul3A_39 = arith.muli %arg1, %mul3A_38 : i32
    %add3A_40 = arith.addi %mul3A_37, %mul3A_39 : i32
    "tpu.region"() ({
      %run_scoped3A = tpu.sem_alloc : memref<!tpu.dma_semaphore, #tpu.memory_space<semaphore_mem>>
      %dma_start3A_46 = tpu.memref_slice %arg3[%add3A_40] : memref<20000xf32, #tpu.memory_space<hbm>> -> memref<624xf32, #tpu.memory_space<hbm>>
      %dma_start3A_47 = tpu.memref_slice %arg3[%add3A_40] : memref<20000xf32, #tpu.memory_space<hbm>> -> memref<624xf32, #tpu.memory_space<hbm>>
      tpu.enqueue_dma source(%arg6 : memref<624xf32, #tpu.memory_space<vmem>>) target(%dma_start3A_47 : memref<624xf32, #tpu.memory_space<hbm>>) target_semaphore(%run_scoped3A : memref<!tpu.dma_semaphore, #tpu.memory_space<semaphore_mem>>)
      %dma_wait3A_48 = tpu.memref_slice %arg3[%add3A_40] : memref<20000xf32, #tpu.memory_space<hbm>> -> memref<624xf32, #tpu.memory_space<hbm>>
      %dma_wait3A_49 = tpu.memref_slice %arg3[%add3A_40] : memref<20000xf32, #tpu.memory_space<hbm>> -> memref<624xf32, #tpu.memory_space<hbm>>
      tpu.wait_dma2 semaphore(%run_scoped3A : memref<!tpu.dma_semaphore, #tpu.memory_space<semaphore_mem>>) src(%arg6 : memref<624xf32, #tpu.memory_space<vmem>>) dst(%dma_wait3A_49 : memref<624xf32, #tpu.memory_space<hbm>>)
      tpu.yield
    }) : () -> ()
    %eq3A_41 = arith.constant 15 : i32
    %eq3A_42 = arith.cmpi eq, %arg1, %eq3A_41 : i32
    %convert_element_type3A_43 = arith.extui %eq3A_42 : i1 to i32
    %cond3A_44 = arith.constant 0 : i32
    %cond3A_45 = arith.cmpi ne, %convert_element_type3A_43, %cond3A_44 : i32
    scf.if %cond3A_45 {
      "tpu.region"() ({
        %run_scoped3A = tpu.sem_alloc : memref<!tpu.dma_semaphore, #tpu.memory_space<semaphore_mem>>
        %dma_start3A_50 = arith.constant 0 : i32
        %dma_start3A_51 = tpu.memref_slice %arg6[%dma_start3A_50] : memref<624xf32, #tpu.memory_space<vmem>> -> memref<16xf32, #tpu.memory_space<vmem>>
        %dma_start3A_52 = arith.constant 9984 : i32
        %dma_start3A_53 = tpu.memref_slice %arg7[%dma_start3A_52] : memref<10000xf32, #tpu.memory_space<vmem_shared>> -> memref<16xf32, #tpu.memory_space<vmem_shared>>
        %dma_start3A_54 = arith.constant 0 : i32
        %dma_start3A_55 = tpu.memref_slice %arg6[%dma_start3A_54] : memref<624xf32, #tpu.memory_space<vmem>> -> memref<16xf32, #tpu.memory_space<vmem>>
        %dma_start3A_56 = arith.constant 9984 : i32
        %dma_start3A_57 = tpu.memref_slice %arg7[%dma_start3A_56] : memref<10000xf32, #tpu.memory_space<vmem_shared>> -> memref<16xf32, #tpu.memory_space<vmem_shared>>
        tpu.enqueue_dma source(%dma_start3A_57 : memref<16xf32, #tpu.memory_space<vmem_shared>>) target(%dma_start3A_55 : memref<16xf32, #tpu.memory_space<vmem>>) target_semaphore(%run_scoped3A : memref<!tpu.dma_semaphore, #tpu.memory_space<semaphore_mem>>)
        %dma_wait3A_58 = arith.constant 0 : i32
        %dma_wait3A_59 = tpu.memref_slice %arg6[%dma_wait3A_58] : memref<624xf32, #tpu.memory_space<vmem>> -> memref<16xf32, #tpu.memory_space<vmem>>
        %dma_wait3A_60 = arith.constant 9984 : i32
        %dma_wait3A_61 = tpu.memref_slice %arg7[%dma_wait3A_60] : memref<10000xf32, #tpu.memory_space<vmem_shared>> -> memref<16xf32, #tpu.memory_space<vmem_shared>>
        %dma_wait3A_62 = arith.constant 0 : i32
        %dma_wait3A_63 = tpu.memref_slice %arg6[%dma_wait3A_62] : memref<624xf32, #tpu.memory_space<vmem>> -> memref<16xf32, #tpu.memory_space<vmem>>
        %dma_wait3A_64 = arith.constant 9984 : i32
        %dma_wait3A_65 = tpu.memref_slice %arg7[%dma_wait3A_64] : memref<10000xf32, #tpu.memory_space<vmem_shared>> -> memref<16xf32, #tpu.memory_space<vmem_shared>>
        tpu.wait_dma2 semaphore(%run_scoped3A : memref<!tpu.dma_semaphore, #tpu.memory_space<semaphore_mem>>) src(%dma_wait3A_65 : memref<16xf32, #tpu.memory_space<vmem_shared>>) dst(%dma_wait3A_63 : memref<16xf32, #tpu.memory_space<vmem>>)
        tpu.yield
      }) : () -> ()
      %mul3A_46 = arith.constant 10000 : i32
      %mul3A_47 = arith.muli %arg0, %mul3A_46 : i32
      %add3A_48 = arith.constant 9984 : i32
      %add3A_49 = arith.addi %mul3A_47, %add3A_48 : i32
      "tpu.region"() ({
        %run_scoped3A = tpu.sem_alloc : memref<!tpu.dma_semaphore, #tpu.memory_space<semaphore_mem>>
        %dma_start3A_50 = arith.constant 0 : i32
        %dma_start3A_51 = tpu.memref_slice %arg6[%dma_start3A_50] : memref<624xf32, #tpu.memory_space<vmem>> -> memref<16xf32, #tpu.memory_space<vmem>>
        %dma_start3A_52 = tpu.memref_slice %arg3[%add3A_49] : memref<20000xf32, #tpu.memory_space<hbm>> -> memref<16xf32, #tpu.memory_space<hbm>>
        %dma_start3A_53 = tpu.memref_slice %arg3[%add3A_49] : memref<20000xf32, #tpu.memory_space<hbm>> -> memref<16xf32, #tpu.memory_space<hbm>>
        %dma_start3A_54 = arith.constant 0 : i32
        %dma_start3A_55 = tpu.memref_slice %arg6[%dma_start3A_54] : memref<624xf32, #tpu.memory_space<vmem>> -> memref<16xf32, #tpu.memory_space<vmem>>
        tpu.enqueue_dma source(%dma_start3A_55 : memref<16xf32, #tpu.memory_space<vmem>>) target(%dma_start3A_53 : memref<16xf32, #tpu.memory_space<hbm>>) target_semaphore(%run_scoped3A : memref<!tpu.dma_semaphore, #tpu.memory_space<semaphore_mem>>)
        %dma_wait3A_56 = arith.constant 0 : i32
        %dma_wait3A_57 = tpu.memref_slice %arg6[%dma_wait3A_56] : memref<624xf32, #tpu.memory_space<vmem>> -> memref<16xf32, #tpu.memory_space<vmem>>
        %dma_wait3A_58 = tpu.memref_slice %arg3[%add3A_49] : memref<20000xf32, #tpu.memory_space<hbm>> -> memref<16xf32, #tpu.memory_space<hbm>>
        %dma_wait3A_59 = tpu.memref_slice %arg3[%add3A_49] : memref<20000xf32, #tpu.memory_space<hbm>> -> memref<16xf32, #tpu.memory_space<hbm>>
        %dma_wait3A_60 = arith.constant 0 : i32
        %dma_wait3A_61 = tpu.memref_slice %arg6[%dma_wait3A_60] : memref<624xf32, #tpu.memory_space<vmem>> -> memref<16xf32, #tpu.memory_space<vmem>>
        tpu.wait_dma2 semaphore(%run_scoped3A : memref<!tpu.dma_semaphore, #tpu.memory_space<semaphore_mem>>) src(%dma_wait3A_61 : memref<16xf32, #tpu.memory_space<vmem>>) dst(%dma_wait3A_59 : memref<16xf32, #tpu.memory_space<hbm>>)
        tpu.yield
      }) : () -> ()
    } else {
    }
    return
  }
}

module attributes {stable_mosaic.version = 14 : i64} {
  func.func @body(%arg0: i32, %arg1: memref<1000x128xf32, #tpu.memory_space<vmem>>, %arg2: memref<128x128xf32, #tpu.memory_space<vmem>>, %arg3: memref<1000x128xf32, #tpu.memory_space<vmem>>) attributes {dimension_semantics = [#tpu.dimension_semantics<arbitrary>], iteration_bounds = array<i64: 10>, scalar_prefetch = 0 : i64, scratch_operands = 0 : i64, tpu.core_type = #tpu.core_type<tc>, window_params = [{transform_indices = @transform_0, window_bounds = array<i64: 1000, 128>}, {pipeline_mode = #tpu.pipeline_mode<synchronous>, transform_indices = @transform_1, window_bounds = array<i64: 128, 128>}, {transform_indices = @transform_2, window_bounds = array<i64: 1000, 128>}]} {
    %get3A = arith.constant 0 : index
    %get3A_0 = arith.constant 0 : index
    %get3A_1 = vector.load %arg1[%get3A, %get3A_0] : memref<1000x128xf32, #tpu.memory_space<vmem>>, vector<1000x128xf32>
    %get3A_2 = arith.constant 0 : index
    %get3A_3 = arith.constant 0 : index
    %get3A_4 = vector.load %arg2[%get3A_2, %get3A_3] : memref<128x128xf32, #tpu.memory_space<vmem>>, vector<128x128xf32>
    %dot_general3A = arith.constant dense<0.000000e+00> : vector<1000x128xf32>
    %dot_general3A_5 = tpu.matmul %get3A_1, %get3A_4, %dot_general3A {dimension_numbers = #tpu.dot_dimension_numbers<[1], [0], [0], [1], [0, 0, 1, 1], [], []>, transpose_lhs_hint = false} : vector<1000x128xf32>, vector<128x128xf32>, vector<1000x128xf32> -> vector<1000x128xf32>
    %swap3A = arith.constant 0 : index
    %swap3A_6 = arith.constant 0 : index
    %swap3A_7 = vector.load %arg3[%swap3A, %swap3A_6] : memref<1000x128xf32, #tpu.memory_space<vmem>>, vector<1000x128xf32>
    tpu.vector_store %arg3[%swap3A, %swap3A_6], %dot_general3A_5 {strides = array<i32>} : memref<1000x128xf32, #tpu.memory_space<vmem>>, vector<1000x128xf32>,
    return
  }
  func.func @transform_0(%arg0: i32) -> (i32, i32) {
    %c0_i32 = arith.constant 0 : i32
    %c0_i32_0 = arith.constant 0 : i32
    return %arg0, %c0_i32 : i32, i32
  }
  func.func @transform_1(%arg0: i32) -> (i32, i32) {
    %c0_i32 = arith.constant 0 : i32
    %c0_i32_0 = arith.constant 0 : i32
    %c0_i32_1 = arith.constant 0 : i32
    return %c0_i32, %c0_i32_0 : i32, i32
  }
  func.func @transform_2(%arg0: i32) -> (i32, i32) {
    %c0_i32 = arith.constant 0 : i32
    %c0_i32_0 = arith.constant 0 : i32
    return %arg0, %c0_i32 : i32, i32
  }
}

module attributes {stable_mosaic.version = 14 : i64} {
  func.func @body(%arg0: i32, %arg1: memref<1000x128xf32, #tpu.memory_space<vmem>>, %arg2: memref<1000x1xf32, #tpu.memory_space<vmem>>, %arg3: memref<1000x1xf32, #tpu.memory_space<vmem>>, %arg4: memref<1000x128xf32, #tpu.memory_space<vmem>>, %arg5: memref<1000x1xf32, #tpu.memory_space<vmem>>) attributes {dimension_semantics = [#tpu.dimension_semantics<arbitrary>], iteration_bounds = array<i64: 10>, scalar_prefetch = 0 : i64, scratch_operands = 0 : i64, tpu.core_type = #tpu.core_type<tc>, window_params = [{transform_indices = @transform_0, window_bounds = array<i64: 1000, 128>}, {transform_indices = @transform_1, window_bounds = array<i64: 1000, 1>}, {transform_indices = @transform_2, window_bounds = array<i64: 1000, 1>}, {transform_indices = @transform_3, window_bounds = array<i64: 1000, 128>}, {transform_indices = @transform_4, window_bounds = array<i64: 1000, 1>}]} {
    %get3A = arith.constant 0 : index
    %get3A_0 = arith.constant 0 : index
    %get3A_1 = vector.load %arg2[%get3A, %get3A_0] : memref<1000x1xf32, #tpu.memory_space<vmem>>, vector<1000x1xf32>
    %add3A = arith.constant 1.000000e+00 : f32
    %add3A_2 = vector.broadcast %add3A : f32 to vector<1000x1xf32>
    %add3A_3 = arith.addf %add3A_2, %get3A_1 : vector<1000x1xf32>
    %get3A_4 = arith.constant 0 : index
    %get3A_5 = arith.constant 0 : index
    %get3A_6 = vector.load %arg3[%get3A_4, %get3A_5] : memref<1000x1xf32, #tpu.memory_space<vmem>>, vector<1000x1xf32>
    %add3A_7 = arith.addf %add3A_3, %get3A_6 : vector<1000x1xf32>
    %rsqrt3A = math.rsqrt %add3A_7 : vector<1000x1xf32>
    %get3A_8 = arith.constant 0 : index
    %get3A_9 = arith.constant 0 : index
    %get3A_10 = vector.load %arg1[%get3A_8, %get3A_9] : memref<1000x128xf32, #tpu.memory_space<vmem>>, vector<1000x128xf32>
    %mul3A = vector.broadcast %rsqrt3A : vector<1000x1xf32> to vector<1000x128xf32>
    %mul3A_11 = arith.mulf %get3A_10, %mul3A : vector<1000x128xf32>
    %swap3A = arith.constant 0 : index
    %swap3A_12 = arith.constant 0 : index
    %swap3A_13 = vector.load %arg4[%swap3A, %swap3A_12] : memref<1000x128xf32, #tpu.memory_space<vmem>>, vector<1000x128xf32>
    tpu.vector_store %arg4[%swap3A, %swap3A_12], %mul3A_11 {strides = array<i32>} : memref<1000x128xf32, #tpu.memory_space<vmem>>, vector<1000x128xf32>,
    %swap3A_14 = arith.constant 0 : index
    %swap3A_15 = arith.constant 0 : index
    %swap3A_16 = vector.load %arg5[%swap3A_14, %swap3A_15] : memref<1000x1xf32, #tpu.memory_space<vmem>>, vector<1000x1xf32>
    tpu.vector_store %arg5[%swap3A_14, %swap3A_15], %rsqrt3A {strides = array<i32>} : memref<1000x1xf32, #tpu.memory_space<vmem>>, vector<1000x1xf32>,
    return
  }
  func.func @transform_0(%arg0: i32) -> (i32, i32) {
    %c0_i32 = arith.constant 0 : i32
    %c0_i32_0 = arith.constant 0 : i32
    return %arg0, %c0_i32 : i32, i32
  }
  func.func @transform_1(%arg0: i32) -> (i32, i32) {
    %c0_i32 = arith.constant 0 : i32
    %c0_i32_0 = arith.constant 0 : i32
    return %arg0, %c0_i32 : i32, i32
  }
  func.func @transform_2(%arg0: i32) -> (i32, i32) {
    %c0_i32 = arith.constant 0 : i32
    %c0_i32_0 = arith.constant 0 : i32
    return %arg0, %c0_i32 : i32, i32
  }
  func.func @transform_3(%arg0: i32) -> (i32, i32) {
    %c0_i32 = arith.constant 0 : i32
    %c0_i32_0 = arith.constant 0 : i32
    return %arg0, %c0_i32 : i32, i32
  }
  func.func @transform_4(%arg0: i32) -> (i32, i32) {
    %c0_i32 = arith.constant 0 : i32
    %c0_i32_0 = arith.constant 0 : i32
    return %arg0, %c0_i32 : i32, i32
  }
}

module attributes {stable_mosaic.version = 14 : i64} {
  func.func @body(%arg0: i32, %arg1: memref<1000x128xf32, #tpu.memory_space<vmem>>, %arg2: memref<1000x128xf32, #tpu.memory_space<vmem>>, %arg3: memref<1000x128xf32, #tpu.memory_space<vmem>>, %arg4: memref<1000x1xf32, #tpu.memory_space<vmem>>, %arg5: memref<128x64xf32, #tpu.memory_space<vmem>>, %arg6: memref<1x128xf32, #tpu.memory_space<vmem>>, %arg7: memref<1000x64xf32, #tpu.memory_space<vmem>>) attributes {dimension_semantics = [#tpu.dimension_semantics<arbitrary>], iteration_bounds = array<i64: 10>, scalar_prefetch = 0 : i64, scratch_operands = 0 : i64, tpu.core_type = #tpu.core_type<tc>, window_params = [{transform_indices = @transform_0, window_bounds = array<i64: 1000, 128>}, {transform_indices = @transform_1, window_bounds = array<i64: 1000, 128>}, {transform_indices = @transform_2, window_bounds = array<i64: 1000, 128>}, {transform_indices = @transform_3, window_bounds = array<i64: 1000, 1>}, {pipeline_mode = #tpu.pipeline_mode<synchronous>, transform_indices = @transform_4, window_bounds = array<i64: 128, 64>}, {pipeline_mode = #tpu.pipeline_mode<synchronous>, transform_indices = @transform_5, window_bounds = array<i64: 1, 128>}, {transform_indices = @transform_6, window_bounds = array<i64: 1000, 64>}]} {
    %get3A = arith.constant 0 : index
    %get3A_0 = arith.constant 0 : index
    %get3A_1 = vector.load %arg4[%get3A, %get3A_0] : memref<1000x1xf32, #tpu.memory_space<vmem>>, vector<1000x1xf32>
    %get3A_2 = arith.constant 0 : index
    %get3A_3 = arith.constant 0 : index
    %get3A_4 = vector.load %arg1[%get3A_2, %get3A_3] : memref<1000x128xf32, #tpu.memory_space<vmem>>, vector<1000x128xf32>
    %get3A_5 = arith.constant 0 : index
    %get3A_6 = arith.constant 0 : index
    %get3A_7 = vector.load %arg2[%get3A_5, %get3A_6] : memref<1000x128xf32, #tpu.memory_space<vmem>>, vector<1000x128xf32>
    %add3A = arith.addf %get3A_4, %get3A_7 : vector<1000x128xf32>
    %get3A_8 = arith.constant 0 : index
    %get3A_9 = arith.constant 0 : index
    %get3A_10 = vector.load %arg3[%get3A_8, %get3A_9] : memref<1000x128xf32, #tpu.memory_space<vmem>>, vector<1000x128xf32>
    %add3A_11 = arith.addf %add3A, %get3A_10 : vector<1000x128xf32>
    %mul3A = vector.broadcast %get3A_1 : vector<1000x1xf32> to vector<1000x128xf32>
    %mul3A_12 = arith.mulf %add3A_11, %mul3A : vector<1000x128xf32>
    %get3A_13 = arith.constant 0 : index
    %get3A_14 = arith.constant 0 : index
    %get3A_15 = vector.load %arg6[%get3A_13, %get3A_14] : memref<1x128xf32, #tpu.memory_space<vmem>>, vector<1x128xf32>
    %add3A_16 = vector.broadcast %get3A_15 : vector<1x128xf32> to vector<1000x128xf32>
    %add3A_17 = arith.addf %mul3A_12, %add3A_16 : vector<1000x128xf32>
    %max3A = arith.constant 0.000000e+00 : f32
    %max3A_18 = vector.broadcast %max3A : f32 to vector<1000x128xf32>
    %max3A_19 = arith.maximumf %add3A_17, %max3A_18 : vector<1000x128xf32>
    %get3A_20 = arith.constant 0 : index
    %get3A_21 = arith.constant 0 : index
    %get3A_22 = vector.load %arg5[%get3A_20, %get3A_21] : memref<128x64xf32, #tpu.memory_space<vmem>>, vector<128x64xf32>
    %dot_general3A = arith.constant dense<0.000000e+00> : vector<1000x64xf32>
    %dot_general3A_23 = tpu.matmul %max3A_19, %get3A_22, %dot_general3A {dimension_numbers = #tpu.dot_dimension_numbers<[1], [0], [0], [1], [0, 0, 1, 1], [], []>, transpose_lhs_hint = false} : vector<1000x128xf32>, vector<128x64xf32>, vector<1000x64xf32> -> vector<1000x64xf32>
    %mul3A_24 = vector.broadcast %get3A_1 : vector<1000x1xf32> to vector<1000x64xf32>
    %mul3A_25 = arith.mulf %dot_general3A_23, %mul3A_24 : vector<1000x64xf32>
    %swap3A = arith.constant 0 : index
    %swap3A_26 = arith.constant 0 : index
    %swap3A_27 = vector.load %arg7[%swap3A, %swap3A_26] : memref<1000x64xf32, #tpu.memory_space<vmem>>, vector<1000x64xf32>
    tpu.vector_store %arg7[%swap3A, %swap3A_26], %mul3A_25 {strides = array<i32>} : memref<1000x64xf32, #tpu.memory_space<vmem>>, vector<1000x64xf32>,
    return
  }
  func.func @transform_0(%arg0: i32) -> (i32, i32) {
    %c0_i32 = arith.constant 0 : i32
    %c0_i32_0 = arith.constant 0 : i32
    return %arg0, %c0_i32 : i32, i32
  }
  func.func @transform_1(%arg0: i32) -> (i32, i32) {
    %add3A = arith.constant 10 : i32
    %add3A_0 = arith.addi %arg0, %add3A : i32
    %c0_i32 = arith.constant 0 : i32
    %c0_i32_1 = arith.constant 0 : i32
    return %add3A_0, %c0_i32 : i32, i32
  }
  func.func @transform_2(%arg0: i32) -> (i32, i32) {
    %c0_i32 = arith.constant 0 : i32
    %c0_i32_0 = arith.constant 0 : i32
    return %arg0, %c0_i32 : i32, i32
  }
  func.func @transform_3(%arg0: i32) -> (i32, i32) {
    %c0_i32 = arith.constant 0 : i32
    %c0_i32_0 = arith.constant 0 : i32
    return %arg0, %c0_i32 : i32, i32
  }
  func.func @transform_4(%arg0: i32) -> (i32, i32) {
    %c0_i32 = arith.constant 0 : i32
    %c0_i32_0 = arith.constant 0 : i32
    %c0_i32_1 = arith.constant 0 : i32
    return %c0_i32, %c0_i32_0 : i32, i32
  }
  func.func @transform_5(%arg0: i32) -> (i32, i32) {
    %c0_i32 = arith.constant 0 : i32
    %c0_i32_0 = arith.constant 0 : i32
    %c0_i32_1 = arith.constant 0 : i32
    return %c0_i32, %c0_i32_0 : i32, i32
  }
  func.func @transform_6(%arg0: i32) -> (i32, i32) {
    %c0_i32 = arith.constant 0 : i32
    %c0_i32_0 = arith.constant 0 : i32
    return %arg0, %c0_i32 : i32, i32
  }
}

module attributes {stable_mosaic.version = 14 : i64} {
  func.func @body(%arg0: i32, %arg1: memref<1000x64xf32, #tpu.memory_space<vmem>>, %arg2: memref<1000x64xf32, #tpu.memory_space<vmem>>, %arg3: memref<1000x64xf32, #tpu.memory_space<vmem>>, %arg4: memref<1000x1xf32, #tpu.memory_space<vmem>>, %arg5: memref<64x1024xf32, #tpu.memory_space<vmem>>, %arg6: memref<1x64xf32, #tpu.memory_space<vmem>>, %arg7: memref<1x1024xf32, #tpu.memory_space<vmem>>, %arg8: memref<1000x1024xf32, #tpu.memory_space<vmem>>) attributes {dimension_semantics = [#tpu.dimension_semantics<arbitrary>], iteration_bounds = array<i64: 10>, scalar_prefetch = 0 : i64, scratch_operands = 0 : i64, tpu.core_type = #tpu.core_type<tc>, window_params = [{transform_indices = @transform_0, window_bounds = array<i64: 1000, 64>}, {transform_indices = @transform_1, window_bounds = array<i64: 1000, 64>}, {transform_indices = @transform_2, window_bounds = array<i64: 1000, 64>}, {transform_indices = @transform_3, window_bounds = array<i64: 1000, 1>}, {pipeline_mode = #tpu.pipeline_mode<synchronous>, transform_indices = @transform_4, window_bounds = array<i64: 64, 1024>}, {pipeline_mode = #tpu.pipeline_mode<synchronous>, transform_indices = @transform_5, window_bounds = array<i64: 1, 64>}, {pipeline_mode = #tpu.pipeline_mode<synchronous>, transform_indices = @transform_6, window_bounds = array<i64: 1, 1024>}, {transform_indices = @transform_7, window_bounds = array<i64: 1000, 1024>}]} {
    %get3A = arith.constant 0 : index
    %get3A_0 = arith.constant 0 : index
    %get3A_1 = vector.load %arg1[%get3A, %get3A_0] : memref<1000x64xf32, #tpu.memory_space<vmem>>, vector<1000x64xf32>
    %get3A_2 = arith.constant 0 : index
    %get3A_3 = arith.constant 0 : index
    %get3A_4 = vector.load %arg2[%get3A_2, %get3A_3] : memref<1000x64xf32, #tpu.memory_space<vmem>>, vector<1000x64xf32>
    %add3A = arith.addf %get3A_1, %get3A_4 : vector<1000x64xf32>
    %get3A_5 = arith.constant 0 : index
    %get3A_6 = arith.constant 0 : index
    %get3A_7 = vector.load %arg3[%get3A_5, %get3A_6] : memref<1000x64xf32, #tpu.memory_space<vmem>>, vector<1000x64xf32>
    %add3A_8 = arith.addf %add3A, %get3A_7 : vector<1000x64xf32>
    %get3A_9 = arith.constant 0 : index
    %get3A_10 = arith.constant 0 : index
    %get3A_11 = vector.load %arg4[%get3A_9, %get3A_10] : memref<1000x1xf32, #tpu.memory_space<vmem>>, vector<1000x1xf32>
    %mul3A = vector.broadcast %get3A_11 : vector<1000x1xf32> to vector<1000x64xf32>
    %mul3A_12 = arith.mulf %add3A_8, %mul3A : vector<1000x64xf32>
    %get3A_13 = arith.constant 0 : index
    %get3A_14 = arith.constant 0 : index
    %get3A_15 = vector.load %arg6[%get3A_13, %get3A_14] : memref<1x64xf32, #tpu.memory_space<vmem>>, vector<1x64xf32>
    %add3A_16 = vector.broadcast %get3A_15 : vector<1x64xf32> to vector<1000x64xf32>
    %add3A_17 = arith.addf %mul3A_12, %add3A_16 : vector<1000x64xf32>
    %get3A_18 = arith.constant 0 : index
    %get3A_19 = arith.constant 0 : index
    %get3A_20 = vector.load %arg5[%get3A_18, %get3A_19] : memref<64x1024xf32, #tpu.memory_space<vmem>>, vector<64x1024xf32>
    %dot_general3A = arith.constant dense<0.000000e+00> : vector<1000x1024xf32>
    %dot_general3A_21 = tpu.matmul %add3A_17, %get3A_20, %dot_general3A {dimension_numbers = #tpu.dot_dimension_numbers<[1], [0], [0], [1], [0, 0, 1, 1], [], []>, transpose_lhs_hint = false} : vector<1000x64xf32>, vector<64x1024xf32>, vector<1000x1024xf32> -> vector<1000x1024xf32>
    %get3A_22 = arith.constant 0 : index
    %get3A_23 = arith.constant 0 : index
    %get3A_24 = vector.load %arg7[%get3A_22, %get3A_23] : memref<1x1024xf32, #tpu.memory_space<vmem>>, vector<1x1024xf32>
    %add3A_25 = vector.broadcast %get3A_24 : vector<1x1024xf32> to vector<1000x1024xf32>
    %add3A_26 = arith.addf %dot_general3A_21, %add3A_25 : vector<1000x1024xf32>
    %swap3A = arith.constant 0 : index
    %swap3A_27 = arith.constant 0 : index
    %swap3A_28 = vector.load %arg8[%swap3A, %swap3A_27] : memref<1000x1024xf32, #tpu.memory_space<vmem>>, vector<1000x1024xf32>
    tpu.vector_store %arg8[%swap3A, %swap3A_27], %add3A_26 {strides = array<i32>} : memref<1000x1024xf32, #tpu.memory_space<vmem>>, vector<1000x1024xf32>,
    return
  }
  func.func @transform_0(%arg0: i32) -> (i32, i32) {
    %c0_i32 = arith.constant 0 : i32
    %c0_i32_0 = arith.constant 0 : i32
    return %arg0, %c0_i32 : i32, i32
  }
  func.func @transform_1(%arg0: i32) -> (i32, i32) {
    %add3A = arith.constant 10 : i32
    %add3A_0 = arith.addi %arg0, %add3A : i32
    %c0_i32 = arith.constant 0 : i32
    %c0_i32_1 = arith.constant 0 : i32
    return %add3A_0, %c0_i32 : i32, i32
  }
  func.func @transform_2(%arg0: i32) -> (i32, i32) {
    %c0_i32 = arith.constant 0 : i32
    %c0_i32_0 = arith.constant 0 : i32
    return %arg0, %c0_i32 : i32, i32
  }
  func.func @transform_3(%arg0: i32) -> (i32, i32) {
    %c0_i32 = arith.constant 0 : i32
    %c0_i32_0 = arith.constant 0 : i32
    return %arg0, %c0_i32 : i32, i32
  }
  func.func @transform_4(%arg0: i32) -> (i32, i32) {
    %c0_i32 = arith.constant 0 : i32
    %c0_i32_0 = arith.constant 0 : i32
    %c0_i32_1 = arith.constant 0 : i32
    return %c0_i32, %c0_i32_0 : i32, i32
  }
  func.func @transform_5(%arg0: i32) -> (i32, i32) {
    %c0_i32 = arith.constant 0 : i32
    %c0_i32_0 = arith.constant 0 : i32
    %c0_i32_1 = arith.constant 0 : i32
    return %c0_i32, %c0_i32_0 : i32, i32
  }
  func.func @transform_6(%arg0: i32) -> (i32, i32) {
    %c0_i32 = arith.constant 0 : i32
    %c0_i32_0 = arith.constant 0 : i32
    %c0_i32_1 = arith.constant 0 : i32
    return %c0_i32, %c0_i32_0 : i32, i32
  }
  func.func @transform_7(%arg0: i32) -> (i32, i32) {
    %c0_i32 = arith.constant 0 : i32
    %c0_i32_0 = arith.constant 0 : i32
    return %arg0, %c0_i32 : i32, i32
  }
}

</mosaic_0001>

<sc_bundles>
// kernel: kernel.12.cloned.1.call-start
scs
__scs_entry_jumppad:
0x0: {  	(pc) =	sbr.rel $0x88, $3  }
0x1: {  	(tag) =	ssettag $0x0;
	lr =	simm.s32 $0x1  }
0x2: {  	[smem:$0x3F99] =	sst lr;
	_ =	strace $0xD0000000  }
0x3: {  	_ = 	snop  }
0x4: {  	_ = 	snop  }
0x5: {  	_ = 	snop  }
0x6: {  	_ = 	snop  }
0x7: {  	_ = 	snop  }
__scs_overlays_trampoline_lowered:
0x8: {  	[smem:$0x3FA8] =	sst s0  }
0x9: {  	[smem:$0x3FA9] =	sst s1  }
0xa: {  	[smem:$0x3FAA] =	sst s2  }
0xb: {  	[smem:$0x3FAB] =	sst s3  }
0xc: {  	[smem:$0x3FAC] =	sst s4  }
0xd: {  	[smem:$0x3FAD] =	sst s5  }
0xe: {  	[smem:$0x3FAE] =	sst s6  }
0xf: {  	[smem:$0x3FAF] =	sst s7  }
0x10: {  	[smem:$0x3FB0] =	sst s8  }
0x11: {  	[smem:$0x3FB1] =	sst s9;
	s0 =	simm.s32 @!p0 $0x0  }
0x12: {  	s1 =	sld [smem:$0x3F97];
	s0 =	simm.s32 @p0 $0x1  }
0x13: {  	[smem:$0x3FB2] =	sst s0;
	s0 =	simm.s32 @!p1 $0x0  }
0x14: {  	s2 =	sld [smem:$0x3F96];
	s0 =	simm.s32 @p1 $0x1  }
0x15: {  	[smem:$0x3FB3] =	sst s0;
	s0 =	simm.s32 @!p2 $0x0  }
0x16: {  	s3 =	sld [smem:$0x3FDB];
	s0 =	simm.s32 @p2 $0x1  }
0x17: {  	s4 =	simm.s32 $0x1BF5;
	[smem:$0x3FB5] =	sst s0  }
0x18: {  	s0 =	sld [smem:$0x3F98];
	_ =	swait.ge [sflag:s4], $0x0  }
0x19: {  	s7 =	sld [smem:$0x3F99]  }
0x1a: {  	s8 =	sadd.s32 $0xFFFFE003, lr  }
0x1b: {  	s9 =	sadd.s32 $0xFFFFFEF7, lr;
	s5 =	simm.s32 $0xFFFFFFFF;
	p2 =	slt.u32 s8, $0xFFFFF086  }
0x1c: {  	p1 =	slt.u32 s9, $0xF7A;
	s5 =	simm.s32 @!p2 $0x0  }
0x1d: {  	s5 =	simm.s32 @p1 $0x1;
	p0 =	seq.s32 s7, s2  }
0x1e: {  	s7 =	smul.u32 @!p0 $0xF7A, s2;
	p2 =	seq.s32 @!p0 s5, $0x0  }
0x1f: {  	s9 =	smul.u32 $0xF7A, s1;
	s8 =	simm.s32 @!p0 $0x1BF5;
	p2 =	por !p2, p0  }
0x20: {  	[sflag:s8] =	ssyncset.s32 @!p0 $0xFFFFF086;
	s6 =	sadd.s32 @!p0 s3, s7;
	s7 =	simm.s32 @!p0 $0x108  }
0x21: {  	s3 =	sadd.s32 s3, s9;
	s6 =	sadd.s32 @!p0 $0x88, s6;
	s7 =	simm.s32 @p2 $0x1082  }
0x22: {  	[simem:s7], [sflag:s8] =	dma.local @!p0 [hbm:s6], $0xF7A  }
0x23: {  	s9 =	sor.u32 $0xD0000000, s2;
	s6 =	simm.s32 $0x108;
	_ =	swait.ge @!p0 [sflag:s8], $0x0  }
0x24: {  	s3 =	sadd.s32 $0x88, s3;
	s6 =	simm.s32 @!p1 $0x1082;
	[sflag:s4] =	ssyncset.s32 $0xFFFFF086  }
0x25: {  	[simem:s6], [sflag:s4] =	dma.local [hbm:s3], $0xF7A  }
0x26: {  	[smem:$0x3F99] =	sst s1;
	(tag) =	ssettag s2;
	_ =	strace s9  }
0x27: {  	s1 =	sld [smem:$0x3FA9]  }
0x28: {  	s2 =	sld [smem:$0x3FAA]  }
0x29: {  	s4 =	sld [smem:$0x3FAC]  }
0x2a: {  	p0 =	seq.s32 s5, $0x0;
	s5 =	sld [smem:$0x3FAD]  }
0x2b: {  	s6 =	sld [smem:$0x3FAE]  }
0x2c: {  	s7 =	sld [smem:$0x3FAF]  }
0x2d: {  	s3 =	simm.s32 $0x108;
	s8 =	sld [smem:$0x3FB0]  }
0x2e: {  	s3 =	simm.s32 @!p0 $0x1082;
	s9 =	sld [smem:$0x3FB1]  }
0x2f: {  	lr =	sadd.s32 s0, s3;
	s0 =	sld [smem:$0x3FA8]  }
0x30: {  	s3 =	sld [smem:$0x3FAB]  }
0x31: {  	[smem:$0x3FB4] =	sst s10  }
0x32: {  	s10 =	sld [smem:$0x3FB2];
	_ =	sdelay $0x3  }
0x33: {  	p0 =	seq.s32 s10, $0x1;
	s10 =	sld [smem:$0x3FB4];
	_ =	sdelay $0x3  }
0x34: {  	[smem:$0x3FB4] =	sst s10  }
0x35: {  	s10 =	sld [smem:$0x3FB3];
	_ =	sdelay $0x3  }
0x36: {  	p1 =	seq.s32 s10, $0x1;
	s10 =	sld [smem:$0x3FB4];
	_ =	sdelay $0x3  }
0x37: {  	[smem:$0x3FB4] =	sst s10  }
0x38: {  	s10 =	sld [smem:$0x3FB5]  }
0x39: {  	_ = 	snop;
	(pc) =	sbr.ind lr, $3  }
0x3a: {  	_ = 	snop  }
0x3b: {  	_ = 	snop  }
0x3c: {  	p2 =	seq.s32 s10, $0x1;
	s10 =	sld [smem:$0x3FB4]  }
0x3d: {  	_ =	shalt  }
0x3e: {  	_ =	shalt  }
0x3f: {  	_ =	shalt  }
0x40: {  	_ =	shalt  }
0x41: {  	_ =	shalt  }
0x42: {  	_ =	shalt  }
0x43: {  	_ =	shalt  }
0x44: {  	_ =	shalt  }
0x45: {  	_ =	shalt  }
0x46: {  	_ =	shalt  }
0x47: {  	_ =	shalt  }
0x48: {  	_ =	shalt  }
0x49: {  	_ =	shalt  }
0x4a: {  	_ =	shalt  }
0x4b: {  	_ =	shalt  }
0x4c: {  	_ =	shalt  }
0x4d: {  	_ =	shalt  }
0x4e: {  	_ =	shalt  }
0x4f: {  	_ =	shalt  }
0x50: {  	_ =	shalt  }
0x51: {  	_ =	shalt  }
0x52: {  	_ =	shalt  }
0x53: {  	_ =	shalt  }
0x54: {  	_ =	shalt  }
0x55: {  	_ =	shalt  }
0x56: {  	_ =	shalt  }
0x57: {  	_ =	shalt  }
0x58: {  	_ =	shalt  }
0x59: {  	_ =	shalt  }
0x5a: {  	_ =	shalt  }
0x5b: {  	_ =	shalt  }
0x5c: {  	_ =	shalt  }
0x5d: {  	_ =	shalt  }
0x5e: {  	_ =	shalt  }
0x5f: {  	_ =	shalt  }
0x60: {  	_ =	shalt  }
0x61: {  	_ =	shalt  }
0x62: {  	_ =	shalt  }
0x63: {  	_ =	shalt  }
0x64: {  	_ =	shalt  }
0x65: {  	_ =	shalt  }
0x66: {  	_ =	shalt  }
0x67: {  	_ =	shalt  }
0x68: {  	_ =	shalt  }
0x69: {  	_ =	shalt  }
0x6a: {  	_ =	shalt  }
0x6b: {  	_ =	shalt  }
0x6c: {  	_ =	shalt  }
0x6d: {  	_ =	shalt  }
0x6e: {  	_ =	shalt  }
0x6f: {  	_ =	shalt  }
0x70: {  	_ =	shalt  }
0x71: {  	_ =	shalt  }
0x72: {  	_ =	shalt  }
0x73: {  	_ =	shalt  }
0x74: {  	_ =	shalt  }
0x75: {  	_ =	shalt  }
0x76: {  	_ =	shalt  }
0x77: {  	_ =	shalt  }
0x78: {  	_ =	shalt  }
0x79: {  	_ =	shalt  }
0x7a: {  	_ =	shalt  }
0x7b: {  	_ =	shalt  }
0x7c: {  	_ =	shalt  }
0x7d: {  	_ =	shalt  }
0x7e: {  	_ =	shalt  }
0x7f: {  	_ =	shalt  }
0x80: {  	_ =	shalt  }
0x81: {  	_ =	shalt  }
0x82: {  	_ =	shalt  }
0x83: {  	_ =	shalt  }
0x84: {  	_ =	shalt  }
0x85: {  	_ =	shalt  }
0x86: {  	_ =	shalt  }
0x87: {  	_ =	shalt  }
.Lfunc_end0:
.L_simem_size_0:
called_computation.1_lowered:
.L_overlay_start_0:
0x88: {  	s2 =	sld [smem:$0x3FD9]  }
0x89: {  	s3 =	sld [smem:$0x3FFE];
	_ =	sdelay $0x1  }
0x8a: {  	s1 =	srdreg.scid  }
0x8b: {  	s0 =	sand.u32 $0x1, s1  }
0x8c: {  	s17 =	sshll.u32 s0, $0xA;
	s2 =	sadd.s32 s3, s2  }
0x8d: {  	s2 =	sadd.s32 s2, s17  }
0x8e: {  	[smem:$0x3FC0] =	sst s2  }
0x8f: {  	_ = 	snop  }
0x90: {  	s2 =	sld [smem:$0x3FD0];
	(tm) =	ssettm $0x1  }
0x91: {  	s18 =	sld [smem:$0x3FFB];
	_ =	sdelay $0x3  }
0x92: {  	_ =	strace s18  }
0x93: {  	s3 =	sld [smem:$0x3FFC];
	_ =	sdelay $0x3  }
0x94: {  	_ =	strace s3  }
0x95: {  	s3 =	sld [smem:$0x3FFD];
	_ =	sdelay $0x3  }
0x96: {  	_ =	strace s3  }
0x97: {  	_ =	strace $0x8FFFFFFF  }
0x98: {  	s19 =	sld [smem:$0x3FDB];
	_ =	sdelay $0x1  }
0x99: {  	s4 =	simm.s32 $_scs_section_size  }
0x9a: {  	s5 =	simm.s32 $_size__tile_overlayer_lowered;
	s6 =	simm.s32 $_tile_overlayer_lowered  }
0x9b: {  	s22 =	simm.s32 $0x1BFF;
	s21 =	sshll.u32 s6, $0x1;
	s3 =	sadd.s32 s4, s19  }
0x9c: {  	s7 =	simm.s32 $0x0;
	s20 =	sshll.u32 s5, $0x1;
	s5 =	sadd.s32 s21, s3  }
0x9d: {  	[timem:s7], [sflag:s22] =	dma.local [hbm:s5], s20  }
0x9e: {  	_ =	swait.ge [sflag:s22], s20  }
0x9f: {  	s4 =	ssub.s32 $0x0, s20;
	[sflag:s22] =	ssyncset.done $0x0  }
0xa0: {  	[sflag:s22] =	ssyncadd.s32 s4;
	_ =	sdelay $0x1  }
0xa1: {  	s23 =	simm.s32 $0x1B8B  }
0xa2: {  	_ =	swait.ge [sflag:s23], $0x1  }
0xa3: {  	[sflag:s23] =	ssyncset.done $0x0  }
0xa4: {  	s25 =	simm.s32 $0x1B8E;
	s24 =	sld [smem:$0x3FFE];
	[sflag:s23] =	ssyncadd.s32 $0xFFFFFFFF  }
0xa5: {  	s26 =	simm.s32 $execute0_lowered;
	[smem:$0x3FD2] =	sst s25  }
0xa6: {  	s5 =	sshll.u32 s26, $0x1;
	_ =	strace $0x80000049;
	[dreg:$0x1] =	wrdreg $0xFFFFFFFF  }
0xa7: {  	s28 =	simm.s32 $_size_execute0_lowered;
	s3 =	sadd.s32 s3, s5;
	[dreg:$0x0] =	wrdreg $0x0  }
0xa8: {  	s5 =	sshll.u32 s28, $0x1;
	[dreg:$0x2] =	wrdreg s3  }
0xa9: {  	[dreg:$0x3] =	wrdreg s5  }
0xaa: {  	[dreg:$0x4] =	wrdreg $0xC0  }
0xab: {  	_ =	task [dreg:s7], $0x5FFFF  }
0xac: {  	[dreg:$0x1] =	wrdreg $0xFFFFFFFF  }
0xad: {  	[dreg:$0x0] =	wrdreg $0x60  }
0xae: {  	[dreg:$0x2] =	wrdreg s24  }
0xaf: {  	[dreg:$0x3] =	wrdreg s2  }
0xb0: {  	[dreg:$0x4] =	wrdreg $0xBB000  }
0xb1: {  	[dreg:$0x5] =	wrdreg $0x9  }
0xb2: {  	_ =	task.clear_ibuf [dreg:s7], $0x6FFFF;
	_ =	strace $0x90000049  }
0xb3: {  	s29 =	simm.s32 $0x9;
	_ =	strace $0x8000004B  }
0xb4: {  	_ =	swait.ge [sflag:s29], $0x1  }
0xb5: {  	[sflag:s29] =	ssyncadd.s32 $0xFFFFFFFF  }
0xb6: {  	_ =	strace $0x9000004B  }
0xb7: {  	_ =	sfence  }
0xb8: {  	s30 =	sld [smem:$0x0];
	_ =	sdelay $0x2  }
0xb9: {  	s31 =	sshll.u32 s1, $0xD;
	s1 =	sshrl.u32 s1, $0x2  }
0xba: {  	s3 =	sand.u32 $0x4000, s31;
	s1 =	sadd.s32 s1, s30  }
0xbb: {  	s0 =	sor.u32 s3, s0;
	s1 =	sshll.u32 s1, $0x11  }
0xbc: {  	s0 =	sor.u32 s1, s0  }
0xbd: {  	s0 =	sadd.s32 $0x8F2B, s0  }
0xbe: {  	[sflag:s0] =	ssyncadd.remote.s32 $0x1  }
0xbf: {  	_ =	sfence.sel $0xFFFF  }
0xc0: {  	[dreg:$0x0] =	wrdreg $0xFFFFFFFF;
	(pc) =	sbr.abs _section_cstart, $3  }
0xc1: {  	[dreg:$0x1] =	wrdreg $0xFFFFFFFF  }
0xc2: {  	_ =	task.clear_ibuf [dreg:s7], $0x2FFFF;
	_ =	strace $0x9FFFFFFF  }
0xc3: {  	(tm) =	ssettm $0x7FFFFFFF  }
tec
execute0_lowered:
.L_overlay_start_1:
0x0: {  	(tag) =	ssettag $0x1  }
0x1: {  	s0 =	rddreg [dreg:$0x0]  }
0x2: {  	s1 =	rddreg [dreg:$0x1];
	s3 =	srdreg.scid  }
0x3: {  	s23 =	stileid.u32;
	s2 =	rddreg [dreg:$0x2]  }
0x4: {  	s28 =	simm.s32 $0x4F00;
	s29 =	simm.s32 $0x7700;
	s30 =	simm.s32 $0x1  }
0x5: {  	s31 =	simm.s32 $0x2;
	s5 =	sand.u32 $0x1, s3;
	s8 =	smul.u32 $0x4E000, s23  }
0x6: {  	s4 =	sshll.u32 s23, $0x1;
	s3 =	simm.s32 $0x0;
	s12 =	smul.u32 $0x2700, s23  }
0x7: {  	p0 =	sne.s32 s23, $0xF;
	s23 =	simm.s32 $0x9F00;
	s10 =	smul.u32 $0x27100, s5  }
0x8: {  	s4 =	sor.u32 s5, s4;
	[smem:$0x7FF] =	sst s3;
	s22 =	smul.u32 $0x138800, s5  }
0x9: {  	s7 =	ssub.s32 $0x2, s5;
	s5 =	sadd.s32 $0x138000, s2;
	s6 =	smul.u32 $0x4E2, s4  }
0xa: {  	_ =	strace $0x8000004A;
	s4 =	sadd.s32 $0x15C00, s0;
	s9 =	sshrl.u32 s7, $0x1  }
0xb: {  	s24 =	sshrl.u32 s8, $0x2;
	s11 =	ssub.s32 s7, s9;
	s9 =	sshrl.u32 s22, $0x3  }
0xc: {  	s8 =	sadd.s32 s24, s2;
	s25 =	sadd.s32 s12, s10;
	s24 =	simm.s32 $0x3  }
0xd: {  	s0 =	sadd.s32 s6, s0;
	s26 =	sadd.s32 s1, s9;
	s9 =	sadd.s32 s1, s25  }
0xe: {  	s11 =	smax.u32 s11, $0x1;
	s12 =	sadd.s32 $0x1A00, s8;
	s13 =	sadd.s32 $0x3400, s8  }
0xf: {  	s14 =	sadd.s32 $0x4E00, s8;
	s15 =	sadd.s32 $0x6800, s8;
	s16 =	sadd.s32 $0x8200, s8  }
0x10: {  	s17 =	sadd.s32 $0x9C00, s8;
	s18 =	sadd.s32 $0xB600, s8;
	s19 =	sadd.s32 $0xD000, s8  }
0x11: {  	s20 =	sadd.s32 $0xEA00, s8;
	s21 =	sadd.s32 $0x10400, s8;
	s6 =	sadd.s32 $0x2000, s0  }
0x12: {  	s22 =	sadd.s32 $0x11E00, s8;
	s0 =	sadd.s32 $0xBE00, s0;
	[dreg:$0x4] =	wrdreg s6  }
0x13: {  	v0 =	vimm.f32 $0.0e+00;
	s10 =	sadd.s32 $0x27000, s26;
	s26 =	simm.s32 $0x50;
	[dreg:$0x5] =	wrdreg s0  }
.LBB2_1:
0x14: {  	s0 =	simm.s32 $0x0;
	s25 =	simm.s32 $0x200  }
.LBB2_2:
0x15: {  	p1 =	sne.s32 s25, $0x6600;
	[tilespmem:s0+$0x9F70] =	vst v0  }
0x16: {  	[tilespmem:s0+$0x9F00] =	vst v0  }
0x17: {  	[tilespmem:s0+$0x9F10] =	vst v0  }
.Ltmp0:
0x18: {  	[tilespmem:s0+$0x9F20] =	vst v0;
	(pc) =	sbr.rel @p1 .LBB2_2-.Ltmp0, $4  }
0x19: {  	[tilespmem:s0+$0x9F30] =	vst v0  }
0x1a: {  	[tilespmem:s0+$0x9F40] =	vst v0  }
0x1b: {  	[tilespmem:s0+$0x9F50] =	vst v0  }
0x1c: {  	[tilespmem:s0+$0x9F60] =	vst v0;
	s0 =	sshra.s32 s25, $0x2;
	s25 =	sadd.s32 $0x200, s25  }
0x1d: {  	[tilespmem:s0+$0x9F70] =	vst v0  }
0x1e: {  	[tilespmem:s0+$0x9F00] =	vst v0  }
0x1f: {  	[tilespmem:s0+$0x9F10] =	vst v0  }
0x20: {  	[tilespmem:s0+$0x9F20] =	vst v0  }
0x21: {  	[tilespmem:s0+$0x9F30] =	vst v0  }
0x22: {  	[tilespmem:s0+$0x9F40] =	vst v0  }
0x23: {  	[tilespmem:s0+$0x9F50] =	vst v0  }
0x24: {  	[tilespmem:s0+$0x9F60] =	vst v0  }
0x25: {  	[spmem:s8] =	stream.linear.scatter [tilespmem:s23], [sflag:$0x3], $0x1A00, $0x38;
	[tilespmem:$0x1F380] =	vst v63  }
0x26: {  	_ =	swait.ge [sflag:s24], $0x1A00  }
0x27: {  	[sflag:s24] =	ssyncset.done $0x0  }
0x28: {  	[sflag:s24] =	ssyncadd.s32 $0xFFFFE600  }
0x29: {  	[spmem:s12] =	stream.linear.scatter [tilespmem:s23], [sflag:$0x3], $0x1A00, $0x38;
	[tilespmem:$0x1F380] =	vst v63  }
0x2a: {  	_ =	swait.ge [sflag:s24], $0x1A00  }
0x2b: {  	[sflag:s24] =	ssyncset.done $0x0  }
0x2c: {  	[sflag:s24] =	ssyncadd.s32 $0xFFFFE600  }
0x2d: {  	[spmem:s13] =	stream.linear.scatter [tilespmem:s23], [sflag:$0x3], $0x1A00, $0x38;
	[tilespmem:$0x1F380] =	vst v63  }
0x2e: {  	_ =	swait.ge [sflag:s24], $0x1A00  }
0x2f: {  	[sflag:s24] =	ssyncset.done $0x0  }
0x30: {  	[sflag:s24] =	ssyncadd.s32 $0xFFFFE600  }
0x31: {  	[spmem:s14] =	stream.linear.scatter [tilespmem:s23], [sflag:$0x3], $0x1A00, $0x38;
	[tilespmem:$0x1F380] =	vst v63  }
0x32: {  	_ =	swait.ge [sflag:s24], $0x1A00  }
0x33: {  	[sflag:s24] =	ssyncset.done $0x0  }
0x34: {  	[sflag:s24] =	ssyncadd.s32 $0xFFFFE600  }
0x35: {  	[spmem:s15] =	stream.linear.scatter [tilespmem:s23], [sflag:$0x3], $0x1A00, $0x38;
	[tilespmem:$0x1F380] =	vst v63  }
0x36: {  	_ =	swait.ge [sflag:s24], $0x1A00  }
0x37: {  	[sflag:s24] =	ssyncset.done $0x0  }
0x38: {  	[sflag:s24] =	ssyncadd.s32 $0xFFFFE600  }
0x39: {  	[spmem:s16] =	stream.linear.scatter [tilespmem:s23], [sflag:$0x3], $0x1A00, $0x38;
	[tilespmem:$0x1F380] =	vst v63  }
0x3a: {  	_ =	swait.ge [sflag:s24], $0x1A00  }
0x3b: {  	[sflag:s24] =	ssyncset.done $0x0  }
0x3c: {  	[sflag:s24] =	ssyncadd.s32 $0xFFFFE600  }
0x3d: {  	[spmem:s17] =	stream.linear.scatter [tilespmem:s23], [sflag:$0x3], $0x1A00, $0x38;
	[tilespmem:$0x1F380] =	vst v63  }
0x3e: {  	_ =	swait.ge [sflag:s24], $0x1A00  }
0x3f: {  	[sflag:s24] =	ssyncset.done $0x0  }
0x40: {  	[sflag:s24] =	ssyncadd.s32 $0xFFFFE600  }
0x41: {  	[spmem:s18] =	stream.linear.scatter [tilespmem:s23], [sflag:$0x3], $0x1A00, $0x38;
	[tilespmem:$0x1F380] =	vst v63  }
0x42: {  	_ =	swait.ge [sflag:s24], $0x1A00  }
0x43: {  	[sflag:s24] =	ssyncset.done $0x0  }
0x44: {  	[sflag:s24] =	ssyncadd.s32 $0xFFFFE600  }
0x45: {  	[spmem:s19] =	stream.linear.scatter [tilespmem:s23], [sflag:$0x3], $0x1A00, $0x38;
	[tilespmem:$0x1F380] =	vst v63  }
0x46: {  	_ =	swait.ge [sflag:s24], $0x1A00  }
0x47: {  	[sflag:s24] =	ssyncset.done $0x0  }
0x48: {  	[sflag:s24] =	ssyncadd.s32 $0xFFFFE600  }
0x49: {  	[spmem:s20] =	stream.linear.scatter [tilespmem:s23], [sflag:$0x3], $0x1A00, $0x38;
	[tilespmem:$0x1F380] =	vst v63  }
0x4a: {  	_ =	swait.ge [sflag:s24], $0x1A00  }
0x4b: {  	[sflag:s24] =	ssyncset.done $0x0  }
0x4c: {  	[sflag:s24] =	ssyncadd.s32 $0xFFFFE600  }
0x4d: {  	[spmem:s21] =	stream.linear.scatter [tilespmem:s23], [sflag:$0x3], $0x1A00, $0x38;
	[tilespmem:$0x1F380] =	vst v63  }
0x4e: {  	_ =	swait.ge [sflag:s24], $0x1A00  }
0x4f: {  	[sflag:s24] =	ssyncset.done $0x0  }
0x50: {  	[sflag:s24] =	ssyncadd.s32 $0xFFFFE600  }
0x51: {  	[spmem:s22] =	stream.linear.scatter [tilespmem:s23], [sflag:$0x3], $0x1A00, $0x38;
	[tilespmem:$0x1F380] =	vst v63  }
0x52: {  	_ =	swait.ge [sflag:s24], $0x1A00  }
0x53: {  	[sflag:s24] =	ssyncset.done $0x0  }
0x54: {  	s0 =	simm.s32 @!p0 $0x9F00;
	[sflag:s24] =	ssyncadd.s32 $0xFFFFE600  }
0x55: {  	[spmem:s5] =	stream.linear.scatter @!p0 [tilespmem:s0], [sflag:$0x3], $0x800, $0x38;
	[tilespmem:$0x1F380] =	vst v63  }
0x56: {  	s0 =	simm.s32 @!p0 $0x3  }
0x57: {  	_ =	swait.ge @!p0 [sflag:s0], $0x800  }
0x58: {  	[sflag:s0] =	ssyncset.done @!p0 $0x0  }
0x59: {  	s7 =	simm.s32 $0x0;
	s1 =	rddreg [dreg:$0x4];
	[sflag:s0] =	ssyncadd.s32 @!p0 $0xFFFFF800  }
0x5a: {  	[tilespmem:s7], [sflag:$0x3] =	stream.linear.gather [hbm4b:s1+s7], $0x2710, $0x38;
	[tilespmem:$0x1F380] =	vst v63  }
0x5b: {  	_ =	swait.ge [sflag:s24], $0x2710  }
0x5c: {  	[sflag:s24] =	ssyncset.done $0x0  }
0x5d: {  	s6 =	simm.s32 $0x2780;
	s25 =	rddreg [dreg:$0x5];
	[sflag:s24] =	ssyncadd.s32 $0xFFFFD8F0  }
0x5e: {  	[tilespmem:s6], [sflag:$0x3] =	stream.linear.gather [hbm4b:s25+s7], $0x2710, $0x38;
	[tilespmem:$0x1F380] =	vst v63  }
0x5f: {  	_ =	swait.ge [sflag:s24], $0x2710  }
0x60: {  	[sflag:s24] =	ssyncset.done $0x0  }
0x61: {  	[sflag:s24] =	ssyncadd.s32 $0xFFFFD8F0  }
0x62: {  	[bflag:$0x0] =	sbarrier.arrive $0xFFFF  }
0x63: {  	[tilespmem:s28], [sflag:$0x1] =	stream.indirect.gather [hbm4b:s4+s26], $0x80, s7, s26, $0xb8;
	[tilespmem:$0x1F380] =	vst v63  }
0x64: {  	s1 =	simm.s32 $0x50  }
0x65: {  	[tilespmem:s29], [sflag:$0x2] =	stream.indirect.gather [hbm4b:s4+s26], $0x80, s1, s26, $0xb8;
	[tilespmem:$0x1F380] =	vst v63  }
0x66: {  	_ =	swait.ge [sflag:s30], $0x2800  }
0x67: {  	[sflag:s30] =	ssyncset.done $0x0  }
0x68: {  	s6 =	simm.s32 $0x2780;
	[sflag:s30] =	ssyncadd.s32 $0xFFFFD800  }
0x69: {  	[spmem:s2] =	stream.indirect.scatter.add.f32 [tilespmem:s28], [sflag:$0x3], $0x80, s6, s26, $0xb8;
	[tilespmem:$0x1F380] =	vst v63  }
0x6a: {  	_ =	swait.ge [sflag:s24], $0x2800  }
0x6b: {  	[sflag:s24] =	ssyncset.done $0x0  }
0x6c: {  	s7 =	simm.s32 $0xA0;
	[sflag:s24] =	ssyncadd.s32 $0xFFFFD800  }
0x6d: {  	[tilespmem:s28], [sflag:$0x1] =	stream.indirect.gather [hbm4b:s4+s26], $0x80, s7, s26, $0xb8;
	[tilespmem:$0x1F380] =	vst v63  }
0x6e: {  	_ =	swait.ge [sflag:s31], $0x2800  }
0x6f: {  	[sflag:s31] =	ssyncset.done $0x0  }
0x70: {  	s25 =	simm.s32 $0x27D0;
	[sflag:s31] =	ssyncadd.s32 $0xFFFFD800  }
0x71: {  	[spmem:s2] =	stream.indirect.scatter.add.f32 [tilespmem:s29], [sflag:$0x3], $0x80, s25, s26, $0xb8;
	[tilespmem:$0x1F380] =	vst v63  }
0x72: {  	_ =	swait.ge [sflag:s24], $0x2800  }
0x73: {  	s0 =	simm.s32 $0xA0;
	s25 =	simm.s32 $0x500;
	[sflag:s24] =	ssyncset.done $0x0  }
.LBB2_4:
0x74: {  	s1 =	sadd.s32 $0x50, s0  }
0x75: {  	[sflag:s24] =	ssyncadd.s32 $0xFFFFD800;
	s6 =	smov.u32 s25;
	s7 =	sadd.s32 $0x280, s25  }
0x76: {  	[tilespmem:s29], [sflag:$0x2] =	stream.indirect.gather [hbm4b:s4+s26], $0x80, s1, s26, $0xb8;
	[tilespmem:$0x1F380] =	vst v63  }
0x77: {  	p1 =	sne.s32 s25, $0x9880;
	_ =	swait.ge [sflag:s30], $0x2800  }
0x78: {  	[sflag:s30] =	ssyncset.done $0x0  }
0x79: {  	s1 =	sadd.s32 $0x2780, s0;
	[sflag:s30] =	ssyncadd.s32 $0xFFFFD800  }
0x7a: {  	[spmem:s2] =	stream.indirect.scatter.add.f32 [tilespmem:s28], [sflag:$0x3], $0x80, s1, s26, $0xb8;
	[tilespmem:$0x1F380] =	vst v63  }
0x7b: {  	_ =	swait.ge [sflag:s24], $0x2800  }
0x7c: {  	[sflag:s24] =	ssyncset.done $0x0  }
0x7d: {  	s1 =	sadd.s32 $0xA0, s0;
	[sflag:s24] =	ssyncadd.s32 $0xFFFFD800  }
0x7e: {  	[tilespmem:s28], [sflag:$0x1] =	stream.indirect.gather [hbm4b:s4+s26], $0x80, s1, s26, $0xb8;
	[tilespmem:$0x1F380] =	vst v63  }
0x7f: {  	_ =	swait.ge [sflag:s31], $0x2800  }
.Ltmp1:
0x80: {  	[sflag:s31] =	ssyncset.done $0x0;
	(pc) =	sbr.rel @p1 .LBB2_4-.Ltmp1, $4  }
0x81: {  	s0 =	sadd.s32 $0x27D0, s0;
	[sflag:s31] =	ssyncadd.s32 $0xFFFFD800  }
0x82: {  	[spmem:s2] =	stream.indirect.scatter.add.f32 [tilespmem:s29], [sflag:$0x3], $0x80, s0, s26, $0xb8;
	[tilespmem:$0x1F380] =	vst v63  }
0x83: {  	_ =	swait.ge [sflag:s24], $0x2800  }
0x84: {  	s25 =	smov.u32 s7;
	s0 =	sshra.s32 s6, $0x2;
	[sflag:s24] =	ssyncset.done $0x0  }
0x85: {  	s1 =	sadd.s32 $0x50, s0;
	[sflag:s24] =	ssyncadd.s32 $0xFFFFD800  }
0x86: {  	[tilespmem:s29], [sflag:$0x2] =	stream.indirect.gather [hbm4b:s4+s26], $0x80, s1, s26, $0xb8;
	[tilespmem:$0x1F380] =	vst v63  }
0x87: {  	_ =	swait.ge [sflag:s30], $0x2800  }
0x88: {  	[sflag:s30] =	ssyncset.done $0x0  }
0x89: {  	s7 =	sadd.s32 $0x2780, s0;
	[sflag:s30] =	ssyncadd.s32 $0xFFFFD800  }
0x8a: {  	[spmem:s2] =	stream.indirect.scatter.add.f32 [tilespmem:s28], [sflag:$0x3], $0x80, s7, s26, $0xb8;
	[tilespmem:$0x1F380] =	vst v63  }
0x8b: {  	_ =	swait.ge [sflag:s24], $0x2800  }
0x8c: {  	[sflag:s24] =	ssyncset.done $0x0  }
0x8d: {  	s25 =	sadd.s32 $0xA0, s0;
	[sflag:s24] =	ssyncadd.s32 $0xFFFFD800  }
0x8e: {  	[tilespmem:s28], [sflag:$0x1] =	stream.indirect.gather [hbm4b:s4+s26], $0x80, s25, s26, $0xb8;
	[tilespmem:$0x1F380] =	vst v63  }
0x8f: {  	_ =	swait.ge [sflag:s31], $0x2800  }
0x90: {  	[sflag:s31] =	ssyncset.done $0x0  }
0x91: {  	s1 =	sadd.s32 $0x27D0, s0;
	[sflag:s31] =	ssyncadd.s32 $0xFFFFD800  }
0x92: {  	[spmem:s2] =	stream.indirect.scatter.add.f32 [tilespmem:s29], [sflag:$0x3], $0x80, s1, s26, $0xb8;
	[tilespmem:$0x1F380] =	vst v63  }
0x93: {  	_ =	swait.ge [sflag:s24], $0x2800  }
0x94: {  	[sflag:s24] =	ssyncset.done $0x0  }
0x95: {  	[sflag:s24] =	ssyncadd.s32 $0xFFFFD800  }
0x96: {  	_ =	swait.ge [sflag:s30], $0x2800  }
0x97: {  	[sflag:s30] =	ssyncset.done $0x0  }
0x98: {  	s6 =	simm.s32 $0x4E40;
	[sflag:s30] =	ssyncadd.s32 $0xFFFFD800  }
0x99: {  	[spmem:s2] =	stream.indirect.scatter.add.f32 [tilespmem:s28], [sflag:$0x3], $0x80, s6, s26, $0xb8;
	[tilespmem:$0x1F380] =	vst v63  }
0x9a: {  	_ =	swait.ge [sflag:s24], $0x2800  }
0x9b: {  	s7 =	stileid.u32;
	[sflag:s24] =	ssyncset.done $0x0  }
0x9c: {  	s0 =	sshll.u32 s7, $0x6;
	[sflag:s24] =	ssyncadd.s32 $0xFFFFD800  }
0x9d: {  	s0 =	sor.u32 $0x1C03, s0;
	s25 =	sshrl.u32 s8, $0x3;
	[bflag:$0x0] =	sbarrier.arrive $0xFFFF  }
0x9e: {  	[hbm:s9], [sflag:s0] =	dma.local [spmem:s25], $0x2700  }
0x9f: {  	_ =	swait.ge [sflag:s24], $0x2700  }
0xa0: {  	s3 =	sadd.s32 $0x1, s3;
	[sflag:s24] =	ssyncset.done $0x0  }
0xa1: {  	p1 =	sne.s32 s3, s11;
	s1 =	sshrl.u32 @!p0 s5, $0x3;
	[sflag:s24] =	ssyncadd.s32 $0xFFFFD900  }
0xa2: {  	[hbm:s10], [sflag:s0] =	dma.local @!p0 [spmem:s1], $0x100  }
.Ltmp2:
0xa3: {  	_ = 	snop;
	(pc) =	sbr.rel @p1 .LBB2_1-.Ltmp2, $4  }
0xa4: {  	s0 =	simm.s32 @!p0 $0x3  }
0xa5: {  	_ =	swait.ge @!p0 [sflag:s0], $0x100  }
0xa6: {  	[sflag:s0] =	ssyncset.done @!p0 $0x0  }
0xa7: {  	[sflag:s0] =	ssyncadd.s32 @!p0 $0xFFFFFF00  }
0xa8: {  	_ =	sfence.sel $0x180000  }
0xa9: {  	[bflag:$0x0] =	sbarrier.arrive $0xFFFF  }
0xaa: {  	_ =	strace $0x9000004A  }
0xab: {  	s0 =	stileid.u32;
	[bflag:$0x2] =	sbarrier.arrive $0xFFFF  }
0xac: {  	p0 =	sne.s32 s0, $0x0;
	s0 =	rddreg [dreg:$0x3]  }
0xad: {  	s0 =	sadd.s32 @!p0 $0x100000, s0  }
0xae: {  	[sflag:s0] =	ssyncadd.tile.s32 @!p0 $0x1;
	_ =	shalt  }
.Lfunc_end2:
_tile_overlayer_lowered:
.L_overlay_start_2:
0xaf: {  	(tag) =	ssettag $0x2  }
0xb0: {  	s0 =	rddreg [dreg:$0x0];
	s2 =	stileid.u32  }
0xb1: {  	s1 =	rddreg [dreg:$0x1];
	p0 =	sne.s32 s2, $0x0  }
0xb2: {  	s3 =	rddreg [dreg:$0x2];
	[bflag:$0x3] =	sbarrier.arrive $0xFFFF;
	s2 =	simm.s32 @!p0 $0x1C03  }
0xb3: {  	[timem:s3], [sflag:s2] =	dma.local @!p0 [hbm:s0], s1  }
0xb4: {  	s0 =	simm.s32 @!p0 $0x3  }
0xb5: {  	_ =	swait.ge @!p0 [sflag:s0], s1  }
0xb6: {  	s1 =	ssub.s32 @!p0 $0x0, s1;
	[sflag:s0] =	ssyncset.done @!p0 $0x0  }
0xb7: {  	[sflag:s0] =	ssyncadd.s32 @!p0 s1  }
0xb8: {  	[bflag:$0x3] =	sbarrier.arrive $0xFFFF  }
0xb9: {  	_ =	shalt  }

// kernel: kernel.15.cloned.1.call-start
scs
__scs_entry_jumppad:
0x0: {  	(pc) =	sbr.rel $0x88, $3  }
0x1: {  	(tag) =	ssettag $0x0;
	lr =	simm.s32 $0x1  }
0x2: {  	[smem:$0x3F99] =	sst lr;
	_ =	strace $0xD0000000  }
0x3: {  	_ = 	snop  }
0x4: {  	_ = 	snop  }
0x5: {  	_ = 	snop  }
0x6: {  	_ = 	snop  }
0x7: {  	_ = 	snop  }
__scs_overlays_trampoline_lowered:
0x8: {  	[smem:$0x3FA8] =	sst s0  }
0x9: {  	[smem:$0x3FA9] =	sst s1  }
0xa: {  	[smem:$0x3FAA] =	sst s2  }
0xb: {  	[smem:$0x3FAB] =	sst s3  }
0xc: {  	[smem:$0x3FAC] =	sst s4  }
0xd: {  	[smem:$0x3FAD] =	sst s5  }
0xe: {  	[smem:$0x3FAE] =	sst s6  }
0xf: {  	[smem:$0x3FAF] =	sst s7  }
0x10: {  	[smem:$0x3FB0] =	sst s8  }
0x11: {  	[smem:$0x3FB1] =	sst s9;
	s0 =	simm.s32 @!p0 $0x0  }
0x12: {  	s1 =	sld [smem:$0x3F97];
	s0 =	simm.s32 @p0 $0x1  }
0x13: {  	[smem:$0x3FB2] =	sst s0;
	s0 =	simm.s32 @!p1 $0x0  }
0x14: {  	s2 =	sld [smem:$0x3F96];
	s0 =	simm.s32 @p1 $0x1  }
0x15: {  	[smem:$0x3FB3] =	sst s0;
	s0 =	simm.s32 @!p2 $0x0  }
0x16: {  	s3 =	sld [smem:$0x3FDB];
	s0 =	simm.s32 @p2 $0x1  }
0x17: {  	s4 =	simm.s32 $0x1BF5;
	[smem:$0x3FB5] =	sst s0  }
0x18: {  	s0 =	sld [smem:$0x3F98];
	_ =	swait.ge [sflag:s4], $0x0  }
0x19: {  	s7 =	sld [smem:$0x3F99]  }
0x1a: {  	s8 =	sadd.s32 $0xFFFFE003, lr  }
0x1b: {  	s9 =	sadd.s32 $0xFFFFFEF7, lr;
	s5 =	simm.s32 $0xFFFFFFFF;
	p2 =	slt.u32 s8, $0xFFFFF086  }
0x1c: {  	p1 =	slt.u32 s9, $0xF7A;
	s5 =	simm.s32 @!p2 $0x0  }
0x1d: {  	s5 =	simm.s32 @p1 $0x1;
	p0 =	seq.s32 s7, s2  }
0x1e: {  	s7 =	smul.u32 @!p0 $0xF7A, s2;
	p2 =	seq.s32 @!p0 s5, $0x0  }
0x1f: {  	s9 =	smul.u32 $0xF7A, s1;
	s8 =	simm.s32 @!p0 $0x1BF5;
	p2 =	por !p2, p0  }
0x20: {  	[sflag:s8] =	ssyncset.s32 @!p0 $0xFFFFF086;
	s6 =	sadd.s32 @!p0 s3, s7;
	s7 =	simm.s32 @!p0 $0x108  }
0x21: {  	s3 =	sadd.s32 s3, s9;
	s6 =	sadd.s32 @!p0 $0x88, s6;
	s7 =	simm.s32 @p2 $0x1082  }
0x22: {  	[simem:s7], [sflag:s8] =	dma.local @!p0 [hbm:s6], $0xF7A  }
0x23: {  	s9 =	sor.u32 $0xD0000000, s2;
	s6 =	simm.s32 $0x108;
	_ =	swait.ge @!p0 [sflag:s8], $0x0  }
0x24: {  	s3 =	sadd.s32 $0x88, s3;
	s6 =	simm.s32 @!p1 $0x1082;
	[sflag:s4] =	ssyncset.s32 $0xFFFFF086  }
0x25: {  	[simem:s6], [sflag:s4] =	dma.local [hbm:s3], $0xF7A  }
0x26: {  	[smem:$0x3F99] =	sst s1;
	(tag) =	ssettag s2;
	_ =	strace s9  }
0x27: {  	s1 =	sld [smem:$0x3FA9]  }
0x28: {  	s2 =	sld [smem:$0x3FAA]  }
0x29: {  	s4 =	sld [smem:$0x3FAC]  }
0x2a: {  	p0 =	seq.s32 s5, $0x0;
	s5 =	sld [smem:$0x3FAD]  }
0x2b: {  	s6 =	sld [smem:$0x3FAE]  }
0x2c: {  	s7 =	sld [smem:$0x3FAF]  }
0x2d: {  	s3 =	simm.s32 $0x108;
	s8 =	sld [smem:$0x3FB0]  }
0x2e: {  	s3 =	simm.s32 @!p0 $0x1082;
	s9 =	sld [smem:$0x3FB1]  }
0x2f: {  	lr =	sadd.s32 s0, s3;
	s0 =	sld [smem:$0x3FA8]  }
0x30: {  	s3 =	sld [smem:$0x3FAB]  }
0x31: {  	[smem:$0x3FB4] =	sst s10  }
0x32: {  	s10 =	sld [smem:$0x3FB2];
	_ =	sdelay $0x3  }
0x33: {  	p0 =	seq.s32 s10, $0x1;
	s10 =	sld [smem:$0x3FB4];
	_ =	sdelay $0x3  }
0x34: {  	[smem:$0x3FB4] =	sst s10  }
0x35: {  	s10 =	sld [smem:$0x3FB3];
	_ =	sdelay $0x3  }
0x36: {  	p1 =	seq.s32 s10, $0x1;
	s10 =	sld [smem:$0x3FB4];
	_ =	sdelay $0x3  }
0x37: {  	[smem:$0x3FB4] =	sst s10  }
0x38: {  	s10 =	sld [smem:$0x3FB5]  }
0x39: {  	_ = 	snop;
	(pc) =	sbr.ind lr, $3  }
0x3a: {  	_ = 	snop  }
0x3b: {  	_ = 	snop  }
0x3c: {  	p2 =	seq.s32 s10, $0x1;
	s10 =	sld [smem:$0x3FB4]  }
0x3d: {  	_ =	shalt  }
0x3e: {  	_ =	shalt  }
0x3f: {  	_ =	shalt  }
0x40: {  	_ =	shalt  }
0x41: {  	_ =	shalt  }
0x42: {  	_ =	shalt  }
0x43: {  	_ =	shalt  }
0x44: {  	_ =	shalt  }
0x45: {  	_ =	shalt  }
0x46: {  	_ =	shalt  }
0x47: {  	_ =	shalt  }
0x48: {  	_ =	shalt  }
0x49: {  	_ =	shalt  }
0x4a: {  	_ =	shalt  }
0x4b: {  	_ =	shalt  }
0x4c: {  	_ =	shalt  }
0x4d: {  	_ =	shalt  }
0x4e: {  	_ =	shalt  }
0x4f: {  	_ =	shalt  }
0x50: {  	_ =	shalt  }
0x51: {  	_ =	shalt  }
0x52: {  	_ =	shalt  }
0x53: {  	_ =	shalt  }
0x54: {  	_ =	shalt  }
0x55: {  	_ =	shalt  }
0x56: {  	_ =	shalt  }
0x57: {  	_ =	shalt  }
0x58: {  	_ =	shalt  }
0x59: {  	_ =	shalt  }
0x5a: {  	_ =	shalt  }
0x5b: {  	_ =	shalt  }
0x5c: {  	_ =	shalt  }
0x5d: {  	_ =	shalt  }
0x5e: {  	_ =	shalt  }
0x5f: {  	_ =	shalt  }
0x60: {  	_ =	shalt  }
0x61: {  	_ =	shalt  }
0x62: {  	_ =	shalt  }
0x63: {  	_ =	shalt  }
0x64: {  	_ =	shalt  }
0x65: {  	_ =	shalt  }
0x66: {  	_ =	shalt  }
0x67: {  	_ =	shalt  }
0x68: {  	_ =	shalt  }
0x69: {  	_ =	shalt  }
0x6a: {  	_ =	shalt  }
0x6b: {  	_ =	shalt  }
0x6c: {  	_ =	shalt  }
0x6d: {  	_ =	shalt  }
0x6e: {  	_ =	shalt  }
0x6f: {  	_ =	shalt  }
0x70: {  	_ =	shalt  }
0x71: {  	_ =	shalt  }
0x72: {  	_ =	shalt  }
0x73: {  	_ =	shalt  }
0x74: {  	_ =	shalt  }
0x75: {  	_ =	shalt  }
0x76: {  	_ =	shalt  }
0x77: {  	_ =	shalt  }
0x78: {  	_ =	shalt  }
0x79: {  	_ =	shalt  }
0x7a: {  	_ =	shalt  }
0x7b: {  	_ =	shalt  }
0x7c: {  	_ =	shalt  }
0x7d: {  	_ =	shalt  }
0x7e: {  	_ =	shalt  }
0x7f: {  	_ =	shalt  }
0x80: {  	_ =	shalt  }
0x81: {  	_ =	shalt  }
0x82: {  	_ =	shalt  }
0x83: {  	_ =	shalt  }
0x84: {  	_ =	shalt  }
0x85: {  	_ =	shalt  }
0x86: {  	_ =	shalt  }
0x87: {  	_ =	shalt  }
.Lfunc_end0:
.L_simem_size_0:
called_computation.2_lowered:
.L_overlay_start_0:
0x88: {  	s2 =	sld [smem:$0x3FD9]  }
0x89: {  	s3 =	sld [smem:$0x3FFE];
	_ =	sdelay $0x1  }
0x8a: {  	s1 =	srdreg.scid  }
0x8b: {  	s0 =	sand.u32 $0x1, s1  }
0x8c: {  	s17 =	sshll.u32 s0, $0xA;
	s2 =	sadd.s32 s3, s2  }
0x8d: {  	s2 =	sadd.s32 s2, s17  }
0x8e: {  	[smem:$0x3FC0] =	sst s2  }
0x8f: {  	_ = 	snop  }
0x90: {  	s2 =	sld [smem:$0x3FD0];
	(tm) =	ssettm $0x1  }
0x91: {  	s18 =	sld [smem:$0x3FFB];
	_ =	sdelay $0x3  }
0x92: {  	_ =	strace s18  }
0x93: {  	s3 =	sld [smem:$0x3FFC];
	_ =	sdelay $0x3  }
0x94: {  	_ =	strace s3  }
0x95: {  	s3 =	sld [smem:$0x3FFD];
	_ =	sdelay $0x3  }
0x96: {  	_ =	strace s3  }
0x97: {  	_ =	strace $0x8FFFFFFF  }
0x98: {  	s19 =	sld [smem:$0x3FDB];
	_ =	sdelay $0x1  }
0x99: {  	s4 =	simm.s32 $_scs_section_size  }
0x9a: {  	s5 =	simm.s32 $_size__tile_overlayer_lowered;
	s6 =	simm.s32 $_tile_overlayer_lowered  }
0x9b: {  	s22 =	simm.s32 $0x1BFF;
	s21 =	sshll.u32 s6, $0x1;
	s3 =	sadd.s32 s4, s19  }
0x9c: {  	s7 =	simm.s32 $0x0;
	s20 =	sshll.u32 s5, $0x1;
	s5 =	sadd.s32 s21, s3  }
0x9d: {  	[timem:s7], [sflag:s22] =	dma.local [hbm:s5], s20  }
0x9e: {  	_ =	swait.ge [sflag:s22], s20  }
0x9f: {  	s4 =	ssub.s32 $0x0, s20;
	[sflag:s22] =	ssyncset.done $0x0  }
0xa0: {  	[sflag:s22] =	ssyncadd.s32 s4;
	_ =	sdelay $0x1  }
0xa1: {  	s23 =	simm.s32 $0x1B8B  }
0xa2: {  	_ =	swait.ge [sflag:s23], $0x1  }
0xa3: {  	[sflag:s23] =	ssyncset.done $0x0  }
0xa4: {  	s25 =	simm.s32 $0x1B8E;
	s24 =	sld [smem:$0x3FFE];
	[sflag:s23] =	ssyncadd.s32 $0xFFFFFFFF  }
0xa5: {  	s26 =	simm.s32 $execute0_lowered;
	[smem:$0x3FD2] =	sst s25  }
0xa6: {  	s5 =	sshll.u32 s26, $0x1;
	_ =	strace $0x8000004C;
	[dreg:$0x1] =	wrdreg $0xFFFFFFFF  }
0xa7: {  	s28 =	simm.s32 $_size_execute0_lowered;
	s3 =	sadd.s32 s3, s5;
	[dreg:$0x0] =	wrdreg $0x0  }
0xa8: {  	s5 =	sshll.u32 s28, $0x1;
	[dreg:$0x2] =	wrdreg s3  }
0xa9: {  	[dreg:$0x3] =	wrdreg s5  }
0xaa: {  	[dreg:$0x4] =	wrdreg $0xC0  }
0xab: {  	_ =	task [dreg:s7], $0x5FFFF  }
0xac: {  	[dreg:$0x1] =	wrdreg $0xFFFFFFFF  }
0xad: {  	[dreg:$0x0] =	wrdreg $0x60  }
0xae: {  	[dreg:$0x2] =	wrdreg s24  }
0xaf: {  	[dreg:$0x3] =	wrdreg s2  }
0xb0: {  	[dreg:$0x4] =	wrdreg $0x11F600  }
0xb1: {  	[dreg:$0x5] =	wrdreg $0x83200  }
0xb2: {  	[dreg:$0x6] =	wrdreg $0x9  }
0xb3: {  	_ =	task.clear_ibuf [dreg:s7], $0x7FFFF;
	_ =	strace $0x9000004C  }
0xb4: {  	s29 =	simm.s32 $0x9;
	_ =	strace $0x8000004E  }
0xb5: {  	_ =	swait.ge [sflag:s29], $0x1  }
0xb6: {  	[sflag:s29] =	ssyncadd.s32 $0xFFFFFFFF  }
0xb7: {  	_ =	strace $0x9000004E  }
0xb8: {  	_ =	sfence  }
0xb9: {  	s30 =	sld [smem:$0x0];
	_ =	sdelay $0x2  }
0xba: {  	s31 =	sshll.u32 s1, $0xD;
	s1 =	sshrl.u32 s1, $0x2  }
0xbb: {  	s3 =	sand.u32 $0x4000, s31;
	s1 =	sadd.s32 s1, s30  }
0xbc: {  	s0 =	sor.u32 s3, s0;
	s1 =	sshll.u32 s1, $0x11  }
0xbd: {  	s0 =	sor.u32 s1, s0  }
0xbe: {  	s0 =	sadd.s32 $0x8F2B, s0  }
0xbf: {  	[sflag:s0] =	ssyncadd.remote.s32 $0x1  }
0xc0: {  	_ =	sfence.sel $0xFFFF  }
0xc1: {  	[dreg:$0x0] =	wrdreg $0xFFFFFFFF;
	(pc) =	sbr.abs _section_cstart, $3  }
0xc2: {  	[dreg:$0x1] =	wrdreg $0xFFFFFFFF  }
0xc3: {  	_ =	task.clear_ibuf [dreg:s7], $0x2FFFF;
	_ =	strace $0x9FFFFFFF  }
0xc4: {  	(tm) =	ssettm $0x7FFFFFFF  }
0xc5: {  	_ =	shalt  }
tec
execute0_lowered:
.L_overlay_start_1:
0x0: {  	(tag) =	ssettag $0x1  }
0x1: {  	s0 =	rddreg [dreg:$0x0]  }
0x2: {  	s1 =	rddreg [dreg:$0x1]  }
0x3: {  	s2 =	rddreg [dreg:$0x2]  }
0x4: {  	s3 =	rddreg [dreg:$0x3]  }
0x5: {  	s13 =	stileid.u32;
	s4 =	srdreg.scid;
	s30 =	simm.s32 $0x3  }
0x6: {  	s31 =	simm.s32 $0x7620;
	s5 =	sand.u32 $0x1, s4;
	s7 =	smul.u32 $0x9C00, s13  }
0x7: {  	s6 =	sshll.u32 s13, $0x1;
	s4 =	simm.s32 $0x0;
	s11 =	smul.u32 $0x270, s13  }
0x8: {  	s24 =	sshll.u32 s13, $0x6;
	s6 =	sor.u32 s5, s6;
	s12 =	smul.u32 $0x2710, s5  }
0x9: {  	[smem:$0x7FF] =	sst s4;
	s9 =	ssub.s32 $0x2, s5;
	s5 =	smul.u32 $0x9C400, s5  }
0xa: {  	p0 =	sne.s32 s13, $0xF;
	s6 =	smul.u32 $0x4E2, s6;
	_ =	strace $0x8000004D  }
0xb: {  	s8 =	sshrl.u32 s7, $0x3;
	s21 =	sshrl.u32 s9, $0x1;
	s23 =	sadd.s32 s7, s2  }
0xc: {  	s15 =	sadd.s32 s7, s3;
	s7 =	simm.s32 $0x1;
	s8 =	sadd.s32 s8, s0  }
0xd: {  	s9 =	ssub.s32 s9, s21;
	s25 =	sadd.s32 s11, s12;
	s12 =	smul.u32 $0x27000, s13  }
0xe: {  	s14 =	sshrl.u32 s5, $0x3;
	s23 =	sshrl.u32 s23, $0x3;
	s5 =	simm.s32 $0x6220  }
0xf: {  	s10 =	sadd.s32 s6, s0;
	s22 =	sadd.s32 $0x15C00, s8;
	s6 =	sor.u32 $0x1C03, s24  }
0x10: {  	s24 =	sadd.s32 $0x9C000, s2;
	s0 =	sadd.s32 $0x29400, s0;
	[dreg:$0x5] =	wrdreg s22  }
0x11: {  	s8 =	sadd.s32 $0x9C000, s3;
	[dreg:$0x6] =	wrdreg s0;
	s26 =	sadd.s32 $0x2000, s10  }
0x12: {  	s0 =	sshll.u32 s25, $0x3;
	s10 =	sadd.s32 $0xBE00, s10;
	[dreg:$0x7] =	wrdreg s26  }
0x13: {  	s22 =	sshrl.u32 s12, $0x2;
	s25 =	smax.u32 s9, $0x1;
	[dreg:$0x8] =	wrdreg s10  }
0x14: {  	s24 =	sshrl.u32 @!p0 s24, $0x3;
	s0 =	sadd.s32 s1, s0;
	[dreg:$0xb] =	wrdreg s25  }
0x15: {  	s9 =	simm.s32 $0x2;
	s25 =	sshrl.u32 s15, $0x3;
	[dreg:$0x9] =	wrdreg s0  }
0x16: {  	s0 =	sadd.s32 s1, s14;
	s14 =	sadd.s32 s22, s3;
	s1 =	simm.s32 $0x50  }
0x17: {  	s0 =	sadd.s32 $0x13800, s0;
	s26 =	sadd.s32 $0xD00, s14;
	s16 =	sadd.s32 $0x1A00, s14  }
0x18: {  	s17 =	sadd.s32 $0x2700, s14;
	s18 =	sadd.s32 $0x3400, s14;
	s19 =	sadd.s32 $0x4100, s14  }
0x19: {  	s20 =	sadd.s32 $0x4E00, s14;
	s21 =	sadd.s32 $0x5B00, s14;
	s22 =	sadd.s32 $0x6800, s14  }
0x1a: {  	s28 =	sadd.s32 $0x8200, s14;
	s29 =	sadd.s32 $0x8F00, s14;
	[dreg:$0xa] =	wrdreg s0  }
0x1b: {  	v0 =	vimm.f32 $0.0e+00;
	[dreg:$0xc] =	wrdreg s26;
	s26 =	sadd.s32 $0x7500, s14;
	s0 =	simm.s32 $0x4E20  }
.LBB2_1:
0x1c: {  	s10 =	rddreg [dreg:$0x5]  }
0x1d: {  	[spmem:s23], [sflag:s6] =	dma.local [hbm:s10], $0x1380  }
0x1e: {  	_ =	swait.ge [sflag:s30], $0x1380  }
0x1f: {  	[sflag:s30] =	ssyncset.done $0x0  }
0x20: {  	s10 =	rddreg [dreg:$0x6];
	[sflag:s30] =	ssyncadd.s32 $0xFFFFEC80  }
0x21: {  	[spmem:s24], [sflag:s6] =	dma.local @!p0 [hbm:s10], $0x80  }
0x22: {  	s10 =	simm.s32 @!p0 $0x3  }
0x23: {  	_ =	swait.ge @!p0 [sflag:s10], $0x80  }
0x24: {  	[sflag:s10] =	ssyncset.done @!p0 $0x0  }
0x25: {  	s11 =	simm.s32 $0x100;
	[sflag:s10] =	ssyncadd.s32 @!p0 $0xFFFFFF80;
	s10 =	simm.s32 $0x0  }
.LBB2_2:
0x26: {  	p1 =	sne.s32 s11, $0x3300;
	[tilespmem:s10+$0x7650] =	vst v0;
	s12 =	smov.u32 s11;
	s11 =	sadd.s32 $0x100, s11  }
.Ltmp0:
0x27: {  	[tilespmem:s10+$0x7640] =	vst v0;
	(pc) =	sbr.rel @p1 .LBB2_2-.Ltmp0, $3  }
0x28: {  	[tilespmem:s10+$0x7620] =	vst v0  }
0x29: {  	[tilespmem:s10+$0x7630] =	vst v0;
	_ =	sdelay $0x1  }
0x2a: {  	s10 =	sshra.s32 s12, $0x2  }
0x2b: {  	[tilespmem:s10+$0x7650] =	vst v0  }
0x2c: {  	[tilespmem:s10+$0x7640] =	vst v0  }
0x2d: {  	[tilespmem:s10+$0x7620] =	vst v0  }
0x2e: {  	[tilespmem:s10+$0x7630] =	vst v0  }
0x2f: {  	[spmem:s14] =	stream.linear.scatter [tilespmem:s31], [sflag:$0x3], $0xD00, $0x38;
	[tilespmem:$0x1BBA0] =	vst v63  }
0x30: {  	_ =	swait.ge [sflag:s30], $0xD00  }
0x31: {  	[sflag:s30] =	ssyncset.done $0x0  }
0x32: {  	s12 =	rddreg [dreg:$0xc];
	[sflag:s30] =	ssyncadd.s32 $0xFFFFF300  }
0x33: {  	[spmem:s12] =	stream.linear.scatter [tilespmem:s31], [sflag:$0x3], $0xD00, $0x38;
	[tilespmem:$0x1BBA0] =	vst v63  }
0x34: {  	_ =	swait.ge [sflag:s30], $0xD00  }
0x35: {  	[sflag:s30] =	ssyncset.done $0x0  }
0x36: {  	[sflag:s30] =	ssyncadd.s32 $0xFFFFF300  }
0x37: {  	[spmem:s16] =	stream.linear.scatter [tilespmem:s31], [sflag:$0x3], $0xD00, $0x38;
	[tilespmem:$0x1BBA0] =	vst v63  }
0x38: {  	_ =	swait.ge [sflag:s30], $0xD00  }
0x39: {  	[sflag:s30] =	ssyncset.done $0x0  }
0x3a: {  	[sflag:s30] =	ssyncadd.s32 $0xFFFFF300  }
0x3b: {  	[spmem:s17] =	stream.linear.scatter [tilespmem:s31], [sflag:$0x3], $0xD00, $0x38;
	[tilespmem:$0x1BBA0] =	vst v63  }
0x3c: {  	_ =	swait.ge [sflag:s30], $0xD00  }
0x3d: {  	[sflag:s30] =	ssyncset.done $0x0  }
0x3e: {  	[sflag:s30] =	ssyncadd.s32 $0xFFFFF300  }
0x3f: {  	[spmem:s18] =	stream.linear.scatter [tilespmem:s31], [sflag:$0x3], $0xD00, $0x38;
	[tilespmem:$0x1BBA0] =	vst v63  }
0x40: {  	_ =	swait.ge [sflag:s30], $0xD00  }
0x41: {  	[sflag:s30] =	ssyncset.done $0x0  }
0x42: {  	[sflag:s30] =	ssyncadd.s32 $0xFFFFF300  }
0x43: {  	[spmem:s19] =	stream.linear.scatter [tilespmem:s31], [sflag:$0x3], $0xD00, $0x38;
	[tilespmem:$0x1BBA0] =	vst v63  }
0x44: {  	_ =	swait.ge [sflag:s30], $0xD00  }
0x45: {  	[sflag:s30] =	ssyncset.done $0x0  }
0x46: {  	[sflag:s30] =	ssyncadd.s32 $0xFFFFF300  }
0x47: {  	[spmem:s20] =	stream.linear.scatter [tilespmem:s31], [sflag:$0x3], $0xD00, $0x38;
	[tilespmem:$0x1BBA0] =	vst v63  }
0x48: {  	_ =	swait.ge [sflag:s30], $0xD00  }
0x49: {  	[sflag:s30] =	ssyncset.done $0x0  }
0x4a: {  	[sflag:s30] =	ssyncadd.s32 $0xFFFFF300  }
0x4b: {  	[spmem:s21] =	stream.linear.scatter [tilespmem:s31], [sflag:$0x3], $0xD00, $0x38;
	[tilespmem:$0x1BBA0] =	vst v63  }
0x4c: {  	_ =	swait.ge [sflag:s30], $0xD00  }
0x4d: {  	[sflag:s30] =	ssyncset.done $0x0  }
0x4e: {  	[sflag:s30] =	ssyncadd.s32 $0xFFFFF300  }
0x4f: {  	[spmem:s22] =	stream.linear.scatter [tilespmem:s31], [sflag:$0x3], $0xD00, $0x38;
	[tilespmem:$0x1BBA0] =	vst v63  }
0x50: {  	_ =	swait.ge [sflag:s30], $0xD00  }
0x51: {  	[sflag:s30] =	ssyncset.done $0x0  }
0x52: {  	[sflag:s30] =	ssyncadd.s32 $0xFFFFF300  }
0x53: {  	[spmem:s26] =	stream.linear.scatter [tilespmem:s31], [sflag:$0x3], $0xD00, $0x38;
	[tilespmem:$0x1BBA0] =	vst v63  }
0x54: {  	_ =	swait.ge [sflag:s30], $0xD00  }
0x55: {  	[sflag:s30] =	ssyncset.done $0x0  }
0x56: {  	[sflag:s30] =	ssyncadd.s32 $0xFFFFF300  }
0x57: {  	[spmem:s28] =	stream.linear.scatter [tilespmem:s31], [sflag:$0x3], $0xD00, $0x38;
	[tilespmem:$0x1BBA0] =	vst v63  }
0x58: {  	_ =	swait.ge [sflag:s30], $0xD00  }
0x59: {  	[sflag:s30] =	ssyncset.done $0x0  }
0x5a: {  	[sflag:s30] =	ssyncadd.s32 $0xFFFFF300  }
0x5b: {  	[spmem:s29] =	stream.linear.scatter [tilespmem:s31], [sflag:$0x3], $0xD00, $0x38;
	[tilespmem:$0x1BBA0] =	vst v63  }
0x5c: {  	_ =	swait.ge [sflag:s30], $0xD00  }
0x5d: {  	[sflag:s30] =	ssyncset.done $0x0  }
0x5e: {  	s10 =	simm.s32 @!p0 $0x7620;
	[sflag:s30] =	ssyncadd.s32 $0xFFFFF300  }
0x5f: {  	[spmem:s8] =	stream.linear.scatter @!p0 [tilespmem:s10], [sflag:$0x3], $0x400, $0x38;
	[tilespmem:$0x1BBA0] =	vst v63  }
0x60: {  	s10 =	simm.s32 @!p0 $0x3  }
0x61: {  	_ =	swait.ge @!p0 [sflag:s10], $0x400  }
0x62: {  	[sflag:s10] =	ssyncset.done @!p0 $0x0  }
0x63: {  	s13 =	simm.s32 $0x0;
	s11 =	rddreg [dreg:$0x7];
	[sflag:s10] =	ssyncadd.s32 @!p0 $0xFFFFFC00  }
0x64: {  	[tilespmem:s13], [sflag:$0x3] =	stream.linear.gather [hbm4b:s11+s13], $0x2710, $0x38;
	[tilespmem:$0x1BBA0] =	vst v63  }
0x65: {  	_ =	swait.ge [sflag:s30], $0x2710  }
0x66: {  	[sflag:s30] =	ssyncset.done $0x0  }
0x67: {  	s12 =	simm.s32 $0x2710;
	s15 =	rddreg [dreg:$0x8];
	[sflag:s30] =	ssyncadd.s32 $0xFFFFD8F0  }
0x68: {  	[tilespmem:s12], [sflag:$0x3] =	stream.linear.gather [hbm4b:s15+s13], $0x2710, $0x38;
	[tilespmem:$0x1BBA0] =	vst v63  }
0x69: {  	_ =	swait.ge [sflag:s30], $0x2710  }
0x6a: {  	[sflag:s30] =	ssyncset.done $0x0  }
0x6b: {  	[sflag:s30] =	ssyncadd.s32 $0xFFFFD8F0  }
0x6c: {  	[bflag:$0x0] =	sbarrier.arrive $0xFFFF  }
0x6d: {  	[tilespmem:s0], [sflag:$0x1] =	stream.indirect.gather [spmem:s2], $0x40, s13, s1, $0xb8;
	[tilespmem:$0x1BBA0] =	vst v63  }
0x6e: {  	s11 =	simm.s32 $0x50  }
0x6f: {  	[tilespmem:s5], [sflag:$0x2] =	stream.indirect.gather [spmem:s2], $0x40, s11, s1, $0xb8;
	[tilespmem:$0x1BBA0] =	vst v63  }
0x70: {  	_ =	swait.ge [sflag:s7], $0x1400  }
0x71: {  	[sflag:s7] =	ssyncset.done $0x0  }
0x72: {  	s12 =	simm.s32 $0x2710;
	[sflag:s7] =	ssyncadd.s32 $0xFFFFEC00  }
0x73: {  	[spmem:s3] =	stream.indirect.scatter.add.f32 [tilespmem:s0], [sflag:$0x3], $0x40, s12, s1, $0xb8;
	[tilespmem:$0x1BBA0] =	vst v63  }
0x74: {  	_ =	swait.ge [sflag:s30], $0x1400  }
0x75: {  	[sflag:s30] =	ssyncset.done $0x0  }
0x76: {  	s13 =	simm.s32 $0xA0;
	[sflag:s30] =	ssyncadd.s32 $0xFFFFEC00  }
0x77: {  	[tilespmem:s0], [sflag:$0x1] =	stream.indirect.gather [spmem:s2], $0x40, s13, s1, $0xb8;
	[tilespmem:$0x1BBA0] =	vst v63  }
0x78: {  	_ =	swait.ge [sflag:s9], $0x1400  }
0x79: {  	[sflag:s9] =	ssyncset.done $0x0  }
0x7a: {  	s15 =	simm.s32 $0x2760;
	[sflag:s9] =	ssyncadd.s32 $0xFFFFEC00  }
0x7b: {  	[spmem:s3] =	stream.indirect.scatter.add.f32 [tilespmem:s5], [sflag:$0x3], $0x40, s15, s1, $0xb8;
	[tilespmem:$0x1BBA0] =	vst v63  }
0x7c: {  	_ =	swait.ge [sflag:s30], $0x1400  }
0x7d: {  	s10 =	simm.s32 $0xA0;
	s11 =	simm.s32 $0x500;
	[sflag:s30] =	ssyncset.done $0x0  }
.LBB2_4:
0x7e: {  	s12 =	sadd.s32 $0x50, s10  }
0x7f: {  	[sflag:s30] =	ssyncadd.s32 $0xFFFFEC00;
	s13 =	smov.u32 s11;
	s15 =	sadd.s32 $0x280, s11  }
0x80: {  	[tilespmem:s5], [sflag:$0x2] =	stream.indirect.gather [spmem:s2], $0x40, s12, s1, $0xb8;
	[tilespmem:$0x1BBA0] =	vst v63  }
0x81: {  	p1 =	sne.s32 s11, $0x9880;
	_ =	swait.ge [sflag:s7], $0x1400  }
0x82: {  	[sflag:s7] =	ssyncset.done $0x0  }
0x83: {  	s11 =	sadd.s32 $0x2710, s10;
	[sflag:s7] =	ssyncadd.s32 $0xFFFFEC00  }
0x84: {  	[spmem:s3] =	stream.indirect.scatter.add.f32 [tilespmem:s0], [sflag:$0x3], $0x40, s11, s1, $0xb8;
	[tilespmem:$0x1BBA0] =	vst v63  }
0x85: {  	_ =	swait.ge [sflag:s30], $0x1400  }
0x86: {  	[sflag:s30] =	ssyncset.done $0x0  }
0x87: {  	s11 =	sadd.s32 $0xA0, s10;
	[sflag:s30] =	ssyncadd.s32 $0xFFFFEC00  }
0x88: {  	[tilespmem:s0], [sflag:$0x1] =	stream.indirect.gather [spmem:s2], $0x40, s11, s1, $0xb8;
	[tilespmem:$0x1BBA0] =	vst v63  }
0x89: {  	_ =	swait.ge [sflag:s9], $0x1400  }
.Ltmp1:
0x8a: {  	[sflag:s9] =	ssyncset.done $0x0;
	(pc) =	sbr.rel @p1 .LBB2_4-.Ltmp1, $4  }
0x8b: {  	s10 =	sadd.s32 $0x2760, s10;
	[sflag:s9] =	ssyncadd.s32 $0xFFFFEC00  }
0x8c: {  	[spmem:s3] =	stream.indirect.scatter.add.f32 [tilespmem:s5], [sflag:$0x3], $0x40, s10, s1, $0xb8;
	[tilespmem:$0x1BBA0] =	vst v63  }
0x8d: {  	_ =	swait.ge [sflag:s30], $0x1400  }
0x8e: {  	s11 =	smov.u32 s15;
	s10 =	sshra.s32 s13, $0x2;
	[sflag:s30] =	ssyncset.done $0x0  }
0x8f: {  	s11 =	sadd.s32 $0x50, s10;
	[sflag:s30] =	ssyncadd.s32 $0xFFFFEC00  }
0x90: {  	[tilespmem:s5], [sflag:$0x2] =	stream.indirect.gather [spmem:s2], $0x40, s11, s1, $0xb8;
	[tilespmem:$0x1BBA0] =	vst v63  }
0x91: {  	_ =	swait.ge [sflag:s7], $0x1400  }
0x92: {  	[sflag:s7] =	ssyncset.done $0x0  }
0x93: {  	s13 =	sadd.s32 $0x2710, s10;
	[sflag:s7] =	ssyncadd.s32 $0xFFFFEC00  }
0x94: {  	[spmem:s3] =	stream.indirect.scatter.add.f32 [tilespmem:s0], [sflag:$0x3], $0x40, s13, s1, $0xb8;
	[tilespmem:$0x1BBA0] =	vst v63  }
0x95: {  	_ =	swait.ge [sflag:s30], $0x1400  }
0x96: {  	[sflag:s30] =	ssyncset.done $0x0  }
0x97: {  	s15 =	sadd.s32 $0xA0, s10;
	[sflag:s30] =	ssyncadd.s32 $0xFFFFEC00  }
0x98: {  	[tilespmem:s0], [sflag:$0x1] =	stream.indirect.gather [spmem:s2], $0x40, s15, s1, $0xb8;
	[tilespmem:$0x1BBA0] =	vst v63  }
0x99: {  	_ =	swait.ge [sflag:s9], $0x1400  }
0x9a: {  	[sflag:s9] =	ssyncset.done $0x0  }
0x9b: {  	s11 =	sadd.s32 $0x2760, s10;
	[sflag:s9] =	ssyncadd.s32 $0xFFFFEC00  }
0x9c: {  	[spmem:s3] =	stream.indirect.scatter.add.f32 [tilespmem:s5], [sflag:$0x3], $0x40, s11, s1, $0xb8;
	[tilespmem:$0x1BBA0] =	vst v63  }
0x9d: {  	_ =	swait.ge [sflag:s30], $0x1400  }
0x9e: {  	[sflag:s30] =	ssyncset.done $0x0  }
0x9f: {  	[sflag:s30] =	ssyncadd.s32 $0xFFFFEC00  }
0xa0: {  	_ =	swait.ge [sflag:s7], $0x1400  }
0xa1: {  	[sflag:s7] =	ssyncset.done $0x0  }
0xa2: {  	s12 =	simm.s32 $0x4DD0;
	[sflag:s7] =	ssyncadd.s32 $0xFFFFEC00  }
0xa3: {  	[spmem:s3] =	stream.indirect.scatter.add.f32 [tilespmem:s0], [sflag:$0x3], $0x40, s12, s1, $0xb8;
	[tilespmem:$0x1BBA0] =	vst v63  }
0xa4: {  	_ =	swait.ge [sflag:s30], $0x1400  }
0xa5: {  	[sflag:s30] =	ssyncset.done $0x0  }
0xa6: {  	[sflag:s30] =	ssyncadd.s32 $0xFFFFEC00  }
0xa7: {  	[bflag:$0x0] =	sbarrier.arrive $0xFFFF  }
0xa8: {  	s13 =	rddreg [dreg:$0x9]  }
0xa9: {  	[hbm:s13], [sflag:s6] =	dma.local [spmem:s25], $0x1380  }
0xaa: {  	_ =	swait.ge [sflag:s30], $0x1380  }
0xab: {  	[sflag:s30] =	ssyncset.done $0x0  }
0xac: {  	s10 =	sshrl.u32 @!p0 s8, $0x3;
	s11 =	rddreg [dreg:$0xa];
	[sflag:s30] =	ssyncadd.s32 $0xFFFFEC80  }
0xad: {  	[hbm:s11], [sflag:s6] =	dma.local @!p0 [spmem:s10], $0x80  }
0xae: {  	s10 =	simm.s32 @!p0 $0x3  }
0xaf: {  	_ =	swait.ge @!p0 [sflag:s10], $0x80  }
0xb0: {  	s4 =	sadd.s32 $0x1, s4;
	s15 =	rddreg [dreg:$0xb]  }
0xb1: {  	p1 =	sne.s32 s4, s15  }
.Ltmp2:
0xb2: {  	_ = 	snop;
	(pc) =	sbr.rel @p1 .LBB2_1-.Ltmp2, $3  }
0xb3: {  	_ =	sdelay $0x1  }
0xb4: {  	[sflag:s10] =	ssyncset.done @!p0 $0x0  }
0xb5: {  	[sflag:s10] =	ssyncadd.s32 @!p0 $0xFFFFFF80  }
0xb6: {  	_ =	sfence.sel $0x180000  }
0xb7: {  	[bflag:$0x0] =	sbarrier.arrive $0xFFFF  }
0xb8: {  	_ =	strace $0x9000004D  }
0xb9: {  	s0 =	stileid.u32;
	[bflag:$0x2] =	sbarrier.arrive $0xFFFF  }
0xba: {  	p0 =	sne.s32 s0, $0x0;
	s0 =	rddreg [dreg:$0x4]  }
0xbb: {  	s0 =	sadd.s32 @!p0 $0x100000, s0  }
0xbc: {  	[sflag:s0] =	ssyncadd.tile.s32 @!p0 $0x1;
	_ =	shalt  }
.Lfunc_end2:
_tile_overlayer_lowered:
.L_overlay_start_2:
0xbd: {  	(tag) =	ssettag $0x2  }
0xbe: {  	s0 =	rddreg [dreg:$0x0];
	s2 =	stileid.u32  }
0xbf: {  	s1 =	rddreg [dreg:$0x1];
	p0 =	sne.s32 s2, $0x0  }
0xc0: {  	s3 =	rddreg [dreg:$0x2];
	[bflag:$0x3] =	sbarrier.arrive $0xFFFF;
	s2 =	simm.s32 @!p0 $0x1C03  }
0xc1: {  	[timem:s3], [sflag:s2] =	dma.local @!p0 [hbm:s0], s1  }
0xc2: {  	s0 =	simm.s32 @!p0 $0x3  }
0xc3: {  	_ =	swait.ge @!p0 [sflag:s0], s1  }
0xc4: {  	s1 =	ssub.s32 @!p0 $0x0, s1;
	[sflag:s0] =	ssyncset.done @!p0 $0x0  }
0xc5: {  	[sflag:s0] =	ssyncadd.s32 @!p0 s1  }
0xc6: {  	[bflag:$0x3] =	sbarrier.arrive $0xFFFF  }
0xc7: {  	_ =	shalt  }

// kernel: kernel.9.cloned.1.call-start
scs
__scs_entry_jumppad:
0x0: {  	(pc) =	sbr.rel $0x88, $3  }
0x1: {  	(tag) =	ssettag $0x0;
	lr =	simm.s32 $0x1  }
0x2: {  	[smem:$0x3F99] =	sst lr;
	_ =	strace $0xD0000000  }
0x3: {  	_ = 	snop  }
0x4: {  	_ = 	snop  }
0x5: {  	_ = 	snop  }
0x6: {  	_ = 	snop  }
0x7: {  	_ = 	snop  }
__scs_overlays_trampoline_lowered:
0x8: {  	[smem:$0x3FA8] =	sst s0  }
0x9: {  	[smem:$0x3FA9] =	sst s1  }
0xa: {  	[smem:$0x3FAA] =	sst s2  }
0xb: {  	[smem:$0x3FAB] =	sst s3  }
0xc: {  	[smem:$0x3FAC] =	sst s4  }
0xd: {  	[smem:$0x3FAD] =	sst s5  }
0xe: {  	[smem:$0x3FAE] =	sst s6  }
0xf: {  	[smem:$0x3FAF] =	sst s7  }
0x10: {  	[smem:$0x3FB0] =	sst s8  }
0x11: {  	[smem:$0x3FB1] =	sst s9;
	s0 =	simm.s32 @!p0 $0x0  }
0x12: {  	s1 =	sld [smem:$0x3F97];
	s0 =	simm.s32 @p0 $0x1  }
0x13: {  	[smem:$0x3FB2] =	sst s0;
	s0 =	simm.s32 @!p1 $0x0  }
0x14: {  	s2 =	sld [smem:$0x3F96];
	s0 =	simm.s32 @p1 $0x1  }
0x15: {  	[smem:$0x3FB3] =	sst s0;
	s0 =	simm.s32 @!p2 $0x0  }
0x16: {  	s3 =	sld [smem:$0x3FDB];
	s0 =	simm.s32 @p2 $0x1  }
0x17: {  	s4 =	simm.s32 $0x1BF5;
	[smem:$0x3FB5] =	sst s0  }
0x18: {  	s0 =	sld [smem:$0x3F98];
	_ =	swait.ge [sflag:s4], $0x0  }
0x19: {  	s7 =	sld [smem:$0x3F99]  }
0x1a: {  	s8 =	sadd.s32 $0xFFFFE003, lr  }
0x1b: {  	s9 =	sadd.s32 $0xFFFFFEF7, lr;
	s5 =	simm.s32 $0xFFFFFFFF;
	p2 =	slt.u32 s8, $0xFFFFF086  }
0x1c: {  	p1 =	slt.u32 s9, $0xF7A;
	s5 =	simm.s32 @!p2 $0x0  }
0x1d: {  	s5 =	simm.s32 @p1 $0x1;
	p0 =	seq.s32 s7, s2  }
0x1e: {  	s7 =	smul.u32 @!p0 $0xF7A, s2;
	p2 =	seq.s32 @!p0 s5, $0x0  }
0x1f: {  	s9 =	smul.u32 $0xF7A, s1;
	s8 =	simm.s32 @!p0 $0x1BF5;
	p2 =	por !p2, p0  }
0x20: {  	[sflag:s8] =	ssyncset.s32 @!p0 $0xFFFFF086;
	s6 =	sadd.s32 @!p0 s3, s7;
	s7 =	simm.s32 @!p0 $0x108  }
0x21: {  	s3 =	sadd.s32 s3, s9;
	s6 =	sadd.s32 @!p0 $0x88, s6;
	s7 =	simm.s32 @p2 $0x1082  }
0x22: {  	[simem:s7], [sflag:s8] =	dma.local @!p0 [hbm:s6], $0xF7A  }
0x23: {  	s9 =	sor.u32 $0xD0000000, s2;
	s6 =	simm.s32 $0x108;
	_ =	swait.ge @!p0 [sflag:s8], $0x0  }
0x24: {  	s3 =	sadd.s32 $0x88, s3;
	s6 =	simm.s32 @!p1 $0x1082;
	[sflag:s4] =	ssyncset.s32 $0xFFFFF086  }
0x25: {  	[simem:s6], [sflag:s4] =	dma.local [hbm:s3], $0xF7A  }
0x26: {  	[smem:$0x3F99] =	sst s1;
	(tag) =	ssettag s2;
	_ =	strace s9  }
0x27: {  	s1 =	sld [smem:$0x3FA9]  }
0x28: {  	s2 =	sld [smem:$0x3FAA]  }
0x29: {  	s4 =	sld [smem:$0x3FAC]  }
0x2a: {  	p0 =	seq.s32 s5, $0x0;
	s5 =	sld [smem:$0x3FAD]  }
0x2b: {  	s6 =	sld [smem:$0x3FAE]  }
0x2c: {  	s7 =	sld [smem:$0x3FAF]  }
0x2d: {  	s3 =	simm.s32 $0x108;
	s8 =	sld [smem:$0x3FB0]  }
0x2e: {  	s3 =	simm.s32 @!p0 $0x1082;
	s9 =	sld [smem:$0x3FB1]  }
0x2f: {  	lr =	sadd.s32 s0, s3;
	s0 =	sld [smem:$0x3FA8]  }
0x30: {  	s3 =	sld [smem:$0x3FAB]  }
0x31: {  	[smem:$0x3FB4] =	sst s10  }
0x32: {  	s10 =	sld [smem:$0x3FB2];
	_ =	sdelay $0x3  }
0x33: {  	p0 =	seq.s32 s10, $0x1;
	s10 =	sld [smem:$0x3FB4];
	_ =	sdelay $0x3  }
0x34: {  	[smem:$0x3FB4] =	sst s10  }
0x35: {  	s10 =	sld [smem:$0x3FB3];
	_ =	sdelay $0x3  }
0x36: {  	p1 =	seq.s32 s10, $0x1;
	s10 =	sld [smem:$0x3FB4];
	_ =	sdelay $0x3  }
0x37: {  	[smem:$0x3FB4] =	sst s10  }
0x38: {  	s10 =	sld [smem:$0x3FB5]  }
0x39: {  	_ = 	snop;
	(pc) =	sbr.ind lr, $3  }
0x3a: {  	_ = 	snop  }
0x3b: {  	_ = 	snop  }
0x3c: {  	p2 =	seq.s32 s10, $0x1;
	s10 =	sld [smem:$0x3FB4]  }
0x3d: {  	_ =	shalt  }
0x3e: {  	_ =	shalt  }
0x3f: {  	_ =	shalt  }
0x40: {  	_ =	shalt  }
0x41: {  	_ =	shalt  }
0x42: {  	_ =	shalt  }
0x43: {  	_ =	shalt  }
0x44: {  	_ =	shalt  }
0x45: {  	_ =	shalt  }
0x46: {  	_ =	shalt  }
0x47: {  	_ =	shalt  }
0x48: {  	_ =	shalt  }
0x49: {  	_ =	shalt  }
0x4a: {  	_ =	shalt  }
0x4b: {  	_ =	shalt  }
0x4c: {  	_ =	shalt  }
0x4d: {  	_ =	shalt  }
0x4e: {  	_ =	shalt  }
0x4f: {  	_ =	shalt  }
0x50: {  	_ =	shalt  }
0x51: {  	_ =	shalt  }
0x52: {  	_ =	shalt  }
0x53: {  	_ =	shalt  }
0x54: {  	_ =	shalt  }
0x55: {  	_ =	shalt  }
0x56: {  	_ =	shalt  }
0x57: {  	_ =	shalt  }
0x58: {  	_ =	shalt  }
0x59: {  	_ =	shalt  }
0x5a: {  	_ =	shalt  }
0x5b: {  	_ =	shalt  }
0x5c: {  	_ =	shalt  }
0x5d: {  	_ =	shalt  }
0x5e: {  	_ =	shalt  }
0x5f: {  	_ =	shalt  }
0x60: {  	_ =	shalt  }
0x61: {  	_ =	shalt  }
0x62: {  	_ =	shalt  }
0x63: {  	_ =	shalt  }
0x64: {  	_ =	shalt  }
0x65: {  	_ =	shalt  }
0x66: {  	_ =	shalt  }
0x67: {  	_ =	shalt  }
0x68: {  	_ =	shalt  }
0x69: {  	_ =	shalt  }
0x6a: {  	_ =	shalt  }
0x6b: {  	_ =	shalt  }
0x6c: {  	_ =	shalt  }
0x6d: {  	_ =	shalt  }
0x6e: {  	_ =	shalt  }
0x6f: {  	_ =	shalt  }
0x70: {  	_ =	shalt  }
0x71: {  	_ =	shalt  }
0x72: {  	_ =	shalt  }
0x73: {  	_ =	shalt  }
0x74: {  	_ =	shalt  }
0x75: {  	_ =	shalt  }
0x76: {  	_ =	shalt  }
0x77: {  	_ =	shalt  }
0x78: {  	_ =	shalt  }
0x79: {  	_ =	shalt  }
0x7a: {  	_ =	shalt  }
0x7b: {  	_ =	shalt  }
0x7c: {  	_ =	shalt  }
0x7d: {  	_ =	shalt  }
0x7e: {  	_ =	shalt  }
0x7f: {  	_ =	shalt  }
0x80: {  	_ =	shalt  }
0x81: {  	_ =	shalt  }
0x82: {  	_ =	shalt  }
0x83: {  	_ =	shalt  }
0x84: {  	_ =	shalt  }
0x85: {  	_ =	shalt  }
0x86: {  	_ =	shalt  }
0x87: {  	_ =	shalt  }
.Lfunc_end0:
.L_simem_size_0:
called_computation_lowered:
.L_overlay_start_0:
0x88: {  	s2 =	sld [smem:$0x3FD9]  }
0x89: {  	s3 =	sld [smem:$0x3FFE];
	_ =	sdelay $0x1  }
0x8a: {  	s1 =	srdreg.scid  }
0x8b: {  	s0 =	sand.u32 $0x1, s1  }
0x8c: {  	s17 =	sshll.u32 s0, $0xA;
	s2 =	sadd.s32 s3, s2  }
0x8d: {  	s2 =	sadd.s32 s2, s17  }
0x8e: {  	[smem:$0x3FC0] =	sst s2  }
0x8f: {  	_ = 	snop  }
0x90: {  	s2 =	sld [smem:$0x3FD0];
	(tm) =	ssettm $0x1  }
0x91: {  	s18 =	sld [smem:$0x3FFB];
	_ =	sdelay $0x3  }
0x92: {  	_ =	strace s18  }
0x93: {  	s3 =	sld [smem:$0x3FFC];
	_ =	sdelay $0x3  }
0x94: {  	_ =	strace s3  }
0x95: {  	s3 =	sld [smem:$0x3FFD];
	_ =	sdelay $0x3  }
0x96: {  	_ =	strace s3  }
0x97: {  	_ =	strace $0x8FFFFFFF  }
0x98: {  	s19 =	sld [smem:$0x3FDB];
	_ =	sdelay $0x1  }
0x99: {  	s4 =	simm.s32 $_scs_section_size  }
0x9a: {  	s5 =	simm.s32 $_size__tile_overlayer_lowered;
	s6 =	simm.s32 $_tile_overlayer_lowered  }
0x9b: {  	s22 =	simm.s32 $0x1BFF;
	s21 =	sshll.u32 s6, $0x1;
	s3 =	sadd.s32 s4, s19  }
0x9c: {  	s7 =	simm.s32 $0x0;
	s20 =	sshll.u32 s5, $0x1;
	s5 =	sadd.s32 s21, s3  }
0x9d: {  	[timem:s7], [sflag:s22] =	dma.local [hbm:s5], s20  }
0x9e: {  	_ =	swait.ge [sflag:s22], s20  }
0x9f: {  	s4 =	ssub.s32 $0x0, s20;
	[sflag:s22] =	ssyncset.done $0x0  }
0xa0: {  	[sflag:s22] =	ssyncadd.s32 s4;
	_ =	sdelay $0x1  }
0xa1: {  	s23 =	simm.s32 $0x1B8B  }
0xa2: {  	_ =	swait.ge [sflag:s23], $0x1  }
0xa3: {  	[sflag:s23] =	ssyncset.done $0x0  }
0xa4: {  	s25 =	simm.s32 $0x1B8E;
	s24 =	sld [smem:$0x3FFE];
	[sflag:s23] =	ssyncadd.s32 $0xFFFFFFFF  }
0xa5: {  	s26 =	simm.s32 $execute0_lowered;
	[smem:$0x3FD2] =	sst s25  }
0xa6: {  	s5 =	sshll.u32 s26, $0x1;
	_ =	strace $0x80000046;
	[dreg:$0x1] =	wrdreg $0xFFFFFFFF  }
0xa7: {  	s28 =	simm.s32 $_size_execute0_lowered;
	s3 =	sadd.s32 s3, s5;
	[dreg:$0x0] =	wrdreg $0x0  }
0xa8: {  	s5 =	sshll.u32 s28, $0x1;
	[dreg:$0x2] =	wrdreg s3  }
0xa9: {  	[dreg:$0x3] =	wrdreg s5  }
0xaa: {  	[dreg:$0x4] =	wrdreg $0xC0  }
0xab: {  	_ =	task [dreg:s7], $0x5FFFF  }
0xac: {  	[dreg:$0x1] =	wrdreg $0xFFFFFFFF  }
0xad: {  	[dreg:$0x0] =	wrdreg $0x60  }
0xae: {  	[dreg:$0x2] =	wrdreg s24  }
0xaf: {  	[dreg:$0x3] =	wrdreg s2  }
0xb0: {  	[dreg:$0x4] =	wrdreg $0x2A800  }
0xb1: {  	[dreg:$0x5] =	wrdreg $0x9  }
0xb2: {  	_ =	task.clear_ibuf [dreg:s7], $0x6FFFF;
	_ =	strace $0x90000046  }
0xb3: {  	s29 =	simm.s32 $0x9;
	_ =	strace $0x80000048  }
0xb4: {  	_ =	swait.ge [sflag:s29], $0x1  }
0xb5: {  	[sflag:s29] =	ssyncadd.s32 $0xFFFFFFFF  }
0xb6: {  	_ =	strace $0x90000048  }
0xb7: {  	_ =	sfence  }
0xb8: {  	s30 =	sld [smem:$0x0];
	_ =	sdelay $0x2  }
0xb9: {  	s31 =	sshll.u32 s1, $0xD;
	s1 =	sshrl.u32 s1, $0x2  }
0xba: {  	s3 =	sand.u32 $0x4000, s31;
	s1 =	sadd.s32 s1, s30  }
0xbb: {  	s0 =	sor.u32 s3, s0;
	s1 =	sshll.u32 s1, $0x11  }
0xbc: {  	s0 =	sor.u32 s1, s0  }
0xbd: {  	s0 =	sadd.s32 $0x8F2B, s0  }
0xbe: {  	[sflag:s0] =	ssyncadd.remote.s32 $0x1  }
0xbf: {  	_ =	sfence.sel $0xFFFF  }
0xc0: {  	[dreg:$0x0] =	wrdreg $0xFFFFFFFF;
	(pc) =	sbr.abs _section_cstart, $3  }
0xc1: {  	[dreg:$0x1] =	wrdreg $0xFFFFFFFF  }
0xc2: {  	_ =	task.clear_ibuf [dreg:s7], $0x2FFFF;
	_ =	strace $0x9FFFFFFF  }
0xc3: {  	(tm) =	ssettm $0x7FFFFFFF  }
tec
execute0_lowered:
.L_overlay_start_1:
0x0: {  	(tag) =	ssettag $0x1  }
0x1: {  	s4 =	rddreg [dreg:$0x0];
	s1 =	srdreg.scid  }
0x2: {  	s0 =	stileid.u32;
	s7 =	rddreg [dreg:$0x1]  }
0x3: {  	s2 =	rddreg [dreg:$0x2];
	s11 =	simm.s32 $0x3;
	s12 =	simm.s32 $0x50  }
0x4: {  	s13 =	simm.s32 $0x2780;
	s14 =	simm.s32 $0x1;
	s15 =	simm.s32 $0x2  }
0x5: {  	s16 =	simm.s32 $0x0;
	s5 =	sand.u32 $0x1, s1;
	s29 =	sshll.u32 s0, $0x1  }
0x6: {  	s1 =	rddreg [dreg:$0x3];
	s9 =	smul.u32 $0x270, s0;
	p0 =	sne.s32 s0, $0xF  }
0x7: {  	s3 =	sor.u32 s5, s29;
	s8 =	ssub.s32 $0x2, s5;
	s5 =	smul.u32 $0x2710, s5  }
0x8: {  	s6 =	smul.u32 $0x4E2, s3;
	s3 =	simm.s32 $0x0;
	s10 =	sshrl.u32 s8, $0x1  }
0x9: {  	[smem:$0x7FF] =	sst s3;
	s10 =	ssub.s32 s8, s10;
	s30 =	sadd.s32 s9, s5  }
0xa: {  	s31 =	sshrl.u32 s5, $0x3;
	s5 =	sadd.s32 $0x2700, s2;
	_ =	strace $0x80000047  }
0xb: {  	s6 =	sadd.s32 s6, s4;
	s4 =	sadd.s32 s9, s2;
	s8 =	sshrl.u32 s30, $0x3  }
0xc: {  	s9 =	sadd.s32 s7, s31;
	s6 =	sadd.s32 $0xBE00, s6;
	s7 =	sadd.s32 s7, s8  }
0xd: {  	v0 =	vimm.f32 $1.000000000e+00;
	v1 =	vimm.f32 $0.0e+00;
	s8 =	sadd.s32 $0x4E0, s9;
	s9 =	smax.u32 s10, $0x1;
	s10 =	simm.s32 $0x2800  }
.LBB2_1:
0xe: {  	[tilespmem:$0x2780] =	vst v0  }
0xf: {  	[tilespmem:$0x2790] =	vst v0  }
0x10: {  	[tilespmem:$0x27A0] =	vst v0  }
0x11: {  	[tilespmem:$0x27B0] =	vst v0  }
0x12: {  	[tilespmem:$0x27C0] =	vst v0  }
0x13: {  	[tilespmem:$0x2800] =	vst v1  }
0x14: {  	[tilespmem:$0x2810] =	vst v1  }
0x15: {  	[tilespmem:$0x2820] =	vst v1  }
0x16: {  	[tilespmem:$0x2830] =	vst v1  }
0x17: {  	[tilespmem:$0x2840] =	vst v1  }
0x18: {  	[tilespmem:$0x2850] =	vst v1  }
0x19: {  	[tilespmem:$0x2860] =	vst v1  }
0x1a: {  	[tilespmem:$0x2870] =	vst v1  }
0x1b: {  	[tilespmem:$0x2880] =	vst v1  }
0x1c: {  	[tilespmem:$0x2890] =	vst v1  }
0x1d: {  	[tilespmem:$0x28A0] =	vst v1  }
0x1e: {  	[tilespmem:$0x28B0] =	vst v1  }
0x1f: {  	[tilespmem:$0x28C0] =	vst v1  }
0x20: {  	[tilespmem:$0x28D0] =	vst v1  }
0x21: {  	[tilespmem:$0x28E0] =	vst v1  }
0x22: {  	[tilespmem:$0x28F0] =	vst v1  }
0x23: {  	[tilespmem:$0x2900] =	vst v1  }
0x24: {  	[tilespmem:$0x2910] =	vst v1  }
0x25: {  	[tilespmem:$0x2920] =	vst v1  }
0x26: {  	[tilespmem:$0x2930] =	vst v1  }
0x27: {  	[tilespmem:$0x2940] =	vst v1  }
0x28: {  	[tilespmem:$0x2950] =	vst v1  }
0x29: {  	[tilespmem:$0x2960] =	vst v1  }
0x2a: {  	[tilespmem:$0x2970] =	vst v1  }
0x2b: {  	[tilespmem:$0x2980] =	vst v1  }
0x2c: {  	[tilespmem:$0x2990] =	vst v1  }
0x2d: {  	[tilespmem:$0x29A0] =	vst v1  }
0x2e: {  	[tilespmem:$0x29B0] =	vst v1  }
0x2f: {  	[tilespmem:$0x29C0] =	vst v1  }
0x30: {  	[tilespmem:$0x29D0] =	vst v1  }
0x31: {  	[tilespmem:$0x29E0] =	vst v1  }
0x32: {  	[tilespmem:$0x29F0] =	vst v1  }
0x33: {  	[tilespmem:$0x2A00] =	vst v1  }
0x34: {  	[tilespmem:$0x2A10] =	vst v1  }
0x35: {  	[tilespmem:$0x2A20] =	vst v1  }
0x36: {  	[tilespmem:$0x2A30] =	vst v1  }
0x37: {  	[tilespmem:$0x2A40] =	vst v1  }
0x38: {  	[tilespmem:$0x2A50] =	vst v1  }
0x39: {  	[tilespmem:$0x2A60] =	vst v1  }
0x3a: {  	[spmem:s4] =	stream.linear.scatter [tilespmem:s10], [sflag:$0x3], $0x270, $0x38;
	[tilespmem:$0x2CF8] =	vst v63  }
0x3b: {  	_ =	swait.ge [sflag:s11], $0x270  }
0x3c: {  	[sflag:s11] =	ssyncset.done $0x0  }
0x3d: {  	s17 =	simm.s32 @!p0 $0x2800;
	[sflag:s11] =	ssyncadd.s32 $0xFFFFFD90  }
0x3e: {  	[spmem:s5] =	stream.linear.scatter @!p0 [tilespmem:s17], [sflag:$0x3], $0x10, $0x38;
	[tilespmem:$0x2CF8] =	vst v63  }
0x3f: {  	s17 =	simm.s32 @!p0 $0x3  }
0x40: {  	_ =	swait.ge @!p0 [sflag:s17], $0x10  }
0x41: {  	[sflag:s17] =	ssyncset.done @!p0 $0x0  }
0x42: {  	[sflag:s17] =	ssyncadd.s32 @!p0 $0xFFFFFFF0  }
0x43: {  	[tilespmem:s3], [sflag:$0x3] =	stream.linear.gather [hbm4b:s6+s3], $0x2710, $0x38;
	[tilespmem:$0x2CF8] =	vst v63  }
0x44: {  	_ =	swait.ge [sflag:s11], $0x2710  }
0x45: {  	[sflag:s11] =	ssyncset.done $0x0  }
0x46: {  	[sflag:s11] =	ssyncadd.s32 $0xFFFFD8F0  }
0x47: {  	[bflag:$0x0] =	sbarrier.arrive $0xFFFF  }
0x48: {  	[spmem:s2] =	stream.indirect.scatter.add.f32 [tilespmem:s13], [sflag:$0x1], $0x1, s3, s12, $0xb8;
	[tilespmem:$0x2CF8] =	vst v63  }
0x49: {  	s30 =	simm.s32 $0x50  }
0x4a: {  	[spmem:s2] =	stream.indirect.scatter.add.f32 [tilespmem:s13], [sflag:$0x2], $0x1, s30, s12, $0xb8;
	[tilespmem:$0x2CF8] =	vst v63  }
0x4b: {  	_ =	swait.ge [sflag:s14], $0x50  }
0x4c: {  	[sflag:s14] =	ssyncset.done $0x0  }
0x4d: {  	s31 =	simm.s32 $0xA0;
	[sflag:s14] =	ssyncadd.s32 $0xFFFFFFB0  }
0x4e: {  	[spmem:s2] =	stream.indirect.scatter.add.f32 [tilespmem:s13], [sflag:$0x1], $0x1, s31, s12, $0xb8;
	[tilespmem:$0x2CF8] =	vst v63  }
0x4f: {  	_ =	swait.ge [sflag:s15], $0x50  }
0x50: {  	s18 =	simm.s32 $0xFFFF6A00;
	s17 =	simm.s32 $0xFFFFD9E0;
	[sflag:s15] =	ssyncset.done $0x0  }
.LBB2_2:
0x51: {  	s19 =	sadd.s32 $0x2710, s17  }
0x52: {  	[sflag:s15] =	ssyncadd.s32 $0xFFFFFFB0;
	s20 =	smov.u32 s18;
	s21 =	sadd.s32 $0x280, s18  }
0x53: {  	[spmem:s2] =	stream.indirect.scatter.add.f32 [tilespmem:s13], [sflag:$0x2], $0x1, s19, s12, $0xb8;
	[tilespmem:$0x2CF8] =	vst v63  }
0x54: {  	p1 =	sne.s32 s18, $0xFFFFFD80;
	_ =	swait.ge [sflag:s14], $0x50  }
.Ltmp0:
0x55: {  	[sflag:s14] =	ssyncset.done $0x0;
	(pc) =	sbr.rel @p1 .LBB2_2-.Ltmp0, $4  }
0x56: {  	s17 =	sadd.s32 $0x2760, s17;
	[sflag:s14] =	ssyncadd.s32 $0xFFFFFFB0  }
0x57: {  	[spmem:s2] =	stream.indirect.scatter.add.f32 [tilespmem:s13], [sflag:$0x1], $0x1, s17, s12, $0xb8;
	[tilespmem:$0x2CF8] =	vst v63  }
0x58: {  	_ =	swait.ge [sflag:s15], $0x50  }
0x59: {  	s18 =	smov.u32 s21;
	s17 =	sshra.s32 s20, $0x2;
	[sflag:s15] =	ssyncset.done $0x0  }
0x5a: {  	s18 =	sadd.s32 $0x2710, s17;
	[sflag:s15] =	ssyncadd.s32 $0xFFFFFFB0  }
0x5b: {  	[spmem:s2] =	stream.indirect.scatter.add.f32 [tilespmem:s13], [sflag:$0x2], $0x1, s18, s12, $0xb8;
	[tilespmem:$0x2CF8] =	vst v63  }
0x5c: {  	_ =	swait.ge [sflag:s14], $0x50  }
0x5d: {  	[sflag:s14] =	ssyncset.done $0x0  }
0x5e: {  	s31 =	sadd.s32 $0x2760, s17;
	[sflag:s14] =	ssyncadd.s32 $0xFFFFFFB0  }
0x5f: {  	[spmem:s2] =	stream.indirect.scatter.add.f32 [tilespmem:s13], [sflag:$0x1], $0x1, s31, s12, $0xb8;
	[tilespmem:$0x2CF8] =	vst v63  }
0x60: {  	_ =	swait.ge [sflag:s15], $0x50  }
0x61: {  	[sflag:s15] =	ssyncset.done $0x0  }
0x62: {  	[sflag:s15] =	ssyncadd.s32 $0xFFFFFFB0  }
0x63: {  	_ =	swait.ge [sflag:s14], $0x50  }
0x64: {  	[sflag:s14] =	ssyncset.done $0x0  }
0x65: {  	[sflag:s14] =	ssyncadd.s32 $0xFFFFFFB0  }
0x66: {  	[bflag:$0x0] =	sbarrier.arrive $0xFFFF  }
0x67: {  	[tilespmem:s10], [sflag:$0x3] =	stream.linear.gather [spmem:s4], $0x270, $0x38;
	[tilespmem:$0x2CF8] =	vst v63  }
0x68: {  	_ =	swait.ge [sflag:s11], $0x270  }
0x69: {  	[sflag:s11] =	ssyncset.done $0x0  }
0x6a: {  	[sflag:s11] =	ssyncadd.s32 $0xFFFFFD90  }
0x6b: {  	[hbm4b:s7+s3] =	stream.linear.scatter [tilespmem:s10], [sflag:$0x3], $0x270, $0x38;
	[tilespmem:$0x2CF8] =	vst v63  }
0x6c: {  	_ =	swait.ge [sflag:s11], $0x270  }
0x6d: {  	[sflag:s11] =	ssyncset.done $0x0  }
0x6e: {  	s17 =	simm.s32 @!p0 $0x2800;
	s18 =	simm.s32 @!p0 $0x3;
	[sflag:s11] =	ssyncadd.s32 $0xFFFFFD90  }
0x6f: {  	[tilespmem:s17], [sflag:$0x3] =	stream.linear.gather @!p0 [spmem:s5], $0x10, $0x38;
	[tilespmem:$0x2CF8] =	vst v63  }
0x70: {  	s16 =	sadd.s32 $0x1, s16;
	_ =	swait.ge @!p0 [sflag:s18], $0x10  }
0x71: {  	p1 =	sne.s32 s16, s9;
	[sflag:s18] =	ssyncset.done @!p0 $0x0  }
.Ltmp1:
0x72: {  	s19 =	simm.s32 @!p0 $0x0;
	[sflag:s18] =	ssyncadd.s32 @!p0 $0xFFFFFFF0;
	(pc) =	sbr.rel @p1 .LBB2_1-.Ltmp1, $4  }
0x73: {  	[hbm4b:s8+s19] =	stream.linear.scatter @!p0 [tilespmem:s17], [sflag:$0x3], $0x10, $0x38;
	[tilespmem:$0x2CF8] =	vst v63  }
0x74: {  	_ =	swait.ge @!p0 [sflag:s18], $0x10  }
0x75: {  	[sflag:s18] =	ssyncset.done @!p0 $0x0  }
0x76: {  	[sflag:s18] =	ssyncadd.s32 @!p0 $0xFFFFFFF0  }
0x77: {  	_ =	sfence.sel $0x180000  }
0x78: {  	[bflag:$0x0] =	sbarrier.arrive $0xFFFF  }
0x79: {  	p0 =	sne.s32 s0, $0x0;
	_ =	strace $0x90000047  }
0x7a: {  	s0 =	sadd.s32 @!p0 $0x100000, s1;
	[bflag:$0x2] =	sbarrier.arrive $0xFFFF  }
0x7b: {  	[sflag:s0] =	ssyncadd.tile.s32 @!p0 $0x1;
	_ =	shalt  }
.Lfunc_end2:
_tile_overlayer_lowered:
.L_overlay_start_2:
0x7c: {  	(tag) =	ssettag $0x2  }
0x7d: {  	s0 =	rddreg [dreg:$0x0];
	s2 =	stileid.u32  }
0x7e: {  	s1 =	rddreg [dreg:$0x1];
	p0 =	sne.s32 s2, $0x0  }
0x7f: {  	s3 =	rddreg [dreg:$0x2];
	[bflag:$0x3] =	sbarrier.arrive $0xFFFF;
	s2 =	simm.s32 @!p0 $0x1C03  }
0x80: {  	[timem:s3], [sflag:s2] =	dma.local @!p0 [hbm:s0], s1  }
0x81: {  	s0 =	simm.s32 @!p0 $0x3  }
0x82: {  	_ =	swait.ge @!p0 [sflag:s0], s1  }
0x83: {  	s1 =	ssub.s32 @!p0 $0x0, s1;
	[sflag:s0] =	ssyncset.done @!p0 $0x0  }
0x84: {  	[sflag:s0] =	ssyncadd.s32 @!p0 s1  }
0x85: {  	[bflag:$0x3] =	sbarrier.arrive $0xFFFF  }
0x86: {  	_ =	shalt  }

</sc_bundles>
